<compile_context>
chip_gen: v7x
topology: tpu7x:2x2x1
jax: 0.10.2.dev20260603
libtpu: 0.0.44.dev20260713+nightly
codegen_flags: <defaults>
</compile_context>

<pallas_src>
import functools

import jax
import jax.numpy as jnp
import numpy as np
from jax import lax
from jax.experimental import pallas as pl
from jax.experimental.pallas import tpu as pltpu
from jax.experimental.pallas import tpu_sc as plsc

N = 10000
E = 320000
D = 128
P = 2

NC = 2
NS = 16
NW = NC * NS
F = 144
FE = F - D
B = 128
K = 8
NB = 80
E_PAD = NW * NB * B
N_PAD = 10224
NPT = N_PAD // NS

_sc_mesh = plsc.VectorSubcoreMesh(core_axis_name="c", subcore_axis_name="s")


@functools.partial(
    pl.kernel,
    out_type=(jax.ShapeDtypeStruct((NC, N_PAD, D), jnp.float32),
              jax.ShapeDtypeStruct((NC, N_PAD, D), jnp.float32)),
    mesh=_sc_mesh,
    compiler_params=pltpu.CompilerParams(use_tc_tiling_on_sc=False),
    scratch_types=[
        pltpu.VMEM((K, B), jnp.int32),
        pltpu.VMEM((K, B), jnp.int32),
        pltpu.VMEM((B, D), jnp.float32),
        pltpu.VMEM((B, D), jnp.float32),
        pltpu.VMEM((B, FE), jnp.float32),
        pltpu.VMEM((B, FE), jnp.float32),
        pltpu.VMEM_SHARED((N_PAD, D), jnp.float32),
        pltpu.VMEM_SHARED((N_PAD, FE), jnp.float32),
        pltpu.SemaphoreType.DMA,
        pltpu.SemaphoreType.DMA,
        pltpu.SemaphoreType.DMA,
        pltpu.SemaphoreType.DMA,
    ],
)
def _seg_sum_sc(x_hbm, xe_hbm, edges_hbm, zeros_hbm, outx_hbm,
                oute_hbm, src_v, dst_v, rx0, rx1, re0, re1, accx, acce,
                gsem0, gsem1, ssem0, ssem1):
    cid = lax.axis_index("c")
    sid = lax.axis_index("s")
    wid = cid * NS + sid

    def load_slab(sb):
        pltpu.sync_copy(edges_hbm.at[0, wid, sb], src_v)
        pltpu.sync_copy(edges_hbm.at[1, wid, sb], dst_v)

    def start_gather(k, rx, re, sem):
        pltpu.async_copy(x_hbm.at[dst_v.at[k]], rx, sem)
        pltpu.async_copy(xe_hbm.at[dst_v.at[k]], re, sem)

    def wait_gather(k, rx, re, sem):
        pltpu.make_async_copy(x_hbm.at[dst_v.at[k]], rx, sem).wait()
        pltpu.make_async_copy(xe_hbm.at[dst_v.at[k]], re, sem).wait()

    def start_scatter(k, rx, re, sem):
        pltpu.async_copy(rx, accx.at[src_v.at[k]], sem, add=True)
        pltpu.async_copy(re, acce.at[src_v.at[k]], sem, add=True)

    def wait_scatter(k, rx, re, sem):
        pltpu.make_async_copy(rx, accx.at[src_v.at[k]], sem).wait()
        pltpu.make_async_copy(re, acce.at[src_v.at[k]], sem).wait()

    pltpu.sync_copy(zeros_hbm, accx.at[pl.ds(sid * NPT, NPT)])
    pltpu.sync_copy(zeros_hbm.at[:, pl.ds(0, FE)],
                    acce.at[pl.ds(sid * NPT, NPT)])
    plsc.subcore_barrier()

    def superblock(s, _):
        load_slab(s)
        start_gather(0, rx0, re0, gsem0)
        bufs = [(rx0, re0, gsem0, ssem0), (rx1, re1, gsem1, ssem1)]
        for k in range(K):
            rx, re, gsem, ssem = bufs[k % 2]
            orx, ore, ogsem, ossem = bufs[(k + 1) % 2]
            if k + 1 < K:
                if k >= 1:
                    wait_scatter(k - 1, orx, ore, ossem)
                start_gather(k + 1, orx, ore, ogsem)
            wait_gather(k, rx, re, gsem)
            start_scatter(k, rx, re, ssem)
        wait_scatter(K - 2, rx0, re0, ssem0)
        wait_scatter(K - 1, rx1, re1, ssem1)
        return 0

    lax.fori_loop(0, NB // K, superblock, 0)

    plsc.subcore_barrier()
    r0 = sid * NPT
    pltpu.sync_copy(accx.at[pl.ds(r0, NPT)], outx_hbm.at[cid, pl.ds(r0, NPT)])
    pltpu.sync_copy(acce.at[pl.ds(r0, NPT)],
                    oute_hbm.at[cid, pl.ds(r0, NPT), pl.ds(0, FE)])


def _dense_body(x_ref, pos_ref, gx_ref, ge_ref, w1_ref, w2_ref, wp_ref,
                bm_ref, wa1_ref, wa2_ref, ba_ref, o_ref):
    xb = x_ref[...]
    s = gx_ref[0] + gx_ref[1]
    ge = ge_ref[0, :, :FE] + ge_ref[1, :, :FE]
    sp = ge[:, 0:P]
    counts = ge[:, P:P + 1]
    posb = pos_ref[...]
    q = sp - counts * posb
    wp = wp_ref[...]
    pterm = q[:, 0:1] * wp[0:1, :] + q[:, 1:2] * wp[1:2, :]
    t = jnp.dot(xb, w1_ref[...], preferred_element_type=jnp.float32) + bm_ref[...]
    sums = counts * t + pterm + jnp.dot(s, w2_ref[...],
                                        preferred_element_type=jnp.float32)
    aggr = sums / jnp.maximum(counts, 1.0)
    o_ref[...] = (jnp.dot(xb, wa1_ref[...], preferred_element_type=jnp.float32)
                  + jnp.dot(aggr, wa2_ref[...], preferred_element_type=jnp.float32)
                  + ba_ref[...])


def _dense_tc(x, pos, gx, ge, w1, w2, wp, bm, wa1, wa2, ba):
    bn = 1000
    grid = (N // bn,)
    row_block = lambda d: pl.BlockSpec((bn, d), lambda i: (i, 0))
    full = lambda a, b: pl.BlockSpec((a, b), lambda i: (0, 0))
    return pl.pallas_call(
        _dense_body,
        grid=grid,
        in_specs=[
            row_block(D), row_block(P),
            pl.BlockSpec((NC, bn, D), lambda i: (0, i, 0)),
            pl.BlockSpec((NC, bn, D), lambda i: (0, i, 0)),
            full(D, D), full(D, D), full(8, D), full(1, D),
            full(D, D), full(D, D), full(1, D),
        ],
        out_specs=row_block(D),
        out_shape=jax.ShapeDtypeStruct((N, D), jnp.float32),
    )(x, pos, gx, ge, w1, w2, wp, bm, wa1, wa2, ba)


_PAD_IOTA = np.arange(E_PAD - E, dtype=np.int32)
_PAD_EDGES = np.stack([np.asarray(N + _PAD_IOTA % (N_PAD - N), np.int32),
                       np.asarray(_PAD_IOTA % N, np.int32)])


@jax.jit
def kernel(x, edge_index, pos, W_msg, b_msg, W_aggr, b_aggr):
    xe = jnp.concatenate(
        [pos, jnp.ones((N, 1), jnp.float32),
         jnp.zeros((N, FE - P - 1), jnp.float32)], axis=1)
    xe = jnp.pad(xe, ((0, N_PAD - N), (0, 0)))

    ei = jnp.concatenate([edge_index, jnp.asarray(_PAD_EDGES)], axis=1)
    eis = ei.reshape(2, NW, NB // K, K, B)
    zeros = jnp.zeros((NPT, D), jnp.float32)

    gx, ge = _seg_sum_sc(x, xe, eis, zeros)

    w1 = W_msg[:D]
    w2 = W_msg[D:2 * D]
    wp = jnp.pad(W_msg[2 * D:], ((0, 8 - P), (0, 0)))
    wa1 = W_aggr[:D]
    wa2 = W_aggr[D:]
    return _dense_tc(x, pos, gx, ge, w1, w2, wp,
                     b_msg.reshape(1, D), wa1, wa2, b_aggr.reshape(1, D))

# --- scband reference (transcript-rebuilt; emitter-appended) ---
"""Pipeline reference for scband-mpnnmodel-65094524339280 (READ-ONLY COPY).

The authoritative reference and input builder live on the scoring server;
editing this copy changes nothing except your own understanding.
"""

import jax, jax.numpy as jnp
import numpy as np

N = 10000
E = 320000
D = 128
P = 2

def setup_inputs(seed: int = 0) -> dict:
    key = jax.random.key(seed)
    ks = jax.random.split(key, 7)
    x = jax.random.normal(ks[0], (N, D), dtype=jnp.float32)
    pos = jax.random.normal(ks[1], (N, P), dtype=jnp.float32)
    edge_index = jax.random.randint(ks[2], (2, E), 0, N, dtype=jnp.int32)
    # msg_net: Linear(2*D + P, D); aggr_net: Linear(2*D, D)
    d_msg_in = 2 * D + P
    d_aggr_in = 2 * D
    W_msg = jax.random.normal(ks[3], (d_msg_in, D), dtype=jnp.float32) / np.sqrt(d_msg_in)
    b_msg = jnp.zeros((D,), dtype=jnp.float32)
    W_aggr = jax.random.normal(ks[4], (d_aggr_in, D), dtype=jnp.float32) / np.sqrt(d_aggr_in)
    b_aggr = jnp.zeros((D,), dtype=jnp.float32)
    return {"x": x, "edge_index": edge_index, "pos": pos,
            "W_msg": W_msg, "b_msg": b_msg, "W_aggr": W_aggr, "b_aggr": b_aggr}

def reference(x, edge_index, pos, W_msg, b_msg, W_aggr, b_aggr):
    # flow='target_to_source': x_i = x[edge_index[0]], x_j = x[edge_index[1]],
    # messages aggregated (mean) at index i = edge_index[0].
    src = edge_index[0]
    dst = edge_index[1]
    x_i = jnp.take(x, src, axis=0)
    x_j = jnp.take(x, dst, axis=0)
    pos_i = jnp.take(pos, src, axis=0)
    pos_j = jnp.take(pos, dst, axis=0)
    # neighbor_loc == 'position'
    inputs = jnp.concatenate([x_i, x_j, pos_j - pos_i], axis=1)
    msg = inputs @ W_msg + b_msg
    # mean aggregation over edges grouped by src node
    sums = jax.ops.segment_sum(msg, src, num_segments=N)
    counts = jax.ops.segment_sum(jnp.ones((E,), dtype=jnp.float32), src, num_segments=N)
    aggr_out = sums / jnp.clip(counts, 1.0, None)[:, None]
    # update: self_val=True -> concat(x, aggr_out) then aggr_net
    upd_in = jnp.concatenate([x, aggr_out], axis=1)
    out = upd_in @ W_aggr + b_aggr
    return out

if __name__ == "__main__":
    import jax
    _d = setup_inputs()
    print(jax.jit(kernel)(*tuple(_d.values())))

</pallas_src>

<mosaic_0001>
#map = affine_map<(d0, d1) -> (0, 0)>
#map1 = affine_map<(d0, d1) -> (0, 0, 0, 0, 0)>
#map2 = affine_map<(d0, d1) -> (0, 0, 0)>
module attributes {stable_mosaic.version = 14 : i64} {
  func.func @_seg_sum_sc(%arg0: i32, %arg1: i32, %arg2: memref<10000x128xf32, #tpu.memory_space<hbm>>, %arg3: memref<10224x16xf32, #tpu.memory_space<hbm>>, %arg4: memref<2x32x10x8x128xi32, #tpu.memory_space<hbm>>, %arg5: memref<639x128xf32, #tpu.memory_space<hbm>>, %arg6: memref<2x10224x128xf32, #tpu.memory_space<hbm>>, %arg7: memref<2x10224x128xf32, #tpu.memory_space<hbm>>, %arg8: memref<8x128xi32, #tpu.memory_space<vmem>>, %arg9: memref<8x128xi32, #tpu.memory_space<vmem>>, %arg10: memref<128x128xf32, #tpu.memory_space<vmem>>, %arg11: memref<128x128xf32, #tpu.memory_space<vmem>>, %arg12: memref<128x16xf32, #tpu.memory_space<vmem>>, %arg13: memref<128x16xf32, #tpu.memory_space<vmem>>, %arg14: memref<10224x128xf32, #tpu.memory_space<vmem_shared>>, %arg15: memref<10224x16xf32, #tpu.memory_space<vmem_shared>>, %arg16: memref<!tpu.dma_semaphore, #tpu.memory_space<semaphore_mem>>, %arg17: memref<!tpu.dma_semaphore, #tpu.memory_space<semaphore_mem>>, %arg18: memref<!tpu.dma_semaphore, #tpu.memory_space<semaphore_mem>>, %arg19: memref<!tpu.dma_semaphore, #tpu.memory_space<semaphore_mem>>) attributes {dimension_semantics = [#tpu.dimension_semantics<core_parallel>, #tpu.dimension_semantics<subcore_parallel>], iteration_bounds = array<i64: 2, 16>, scalar_prefetch = 0 : i64, scratch_operands = 12 : i64, tpu.core_type = #tpu.core_type<sc_vector_subcore>, window_params = [{transform_indices = #map}, {transform_indices = #map}, {transform_indices = #map1}, {transform_indices = #map}, {transform_indices = #map2}, {transform_indices = #map2}]} {
    %mul3A = arith.constant 16 : i32
    %mul3A_0 = arith.muli %arg0, %mul3A : i32
    %add3A = arith.addi %mul3A_0, %arg1 : i32
    %mul3A_1 = arith.constant 639 : i32
    %mul3A_2 = arith.muli %arg1, %mul3A_1 : i32
    "tpu.region"() ({
      %run_scoped3A = tpu.sem_alloc : memref<!tpu.dma_semaphore, #tpu.memory_space<semaphore_mem>>
      %dma_start3A = arith.constant 0 : i32
      %dma_start3A_14 = tpu.memref_slice %arg14[%mul3A_2, %dma_start3A] : memref<10224x128xf32, #tpu.memory_space<vmem_shared>> -> memref<639x128xf32, #tpu.memory_space<vmem_shared>>
      tpu.enqueue_dma source(%arg5 : memref<639x128xf32, #tpu.memory_space<hbm>>) target(%dma_start3A_14 : memref<639x128xf32, #tpu.memory_space<vmem_shared>>) target_semaphore(%run_scoped3A : memref<!tpu.dma_semaphore, #tpu.memory_space<semaphore_mem>>)
      %dma_wait3A = arith.constant 0 : i32
      %dma_wait3A_15 = tpu.memref_slice %arg14[%mul3A_2, %dma_wait3A] : memref<10224x128xf32, #tpu.memory_space<vmem_shared>> -> memref<639x128xf32, #tpu.memory_space<vmem_shared>>
      tpu.wait_dma2 semaphore(%run_scoped3A : memref<!tpu.dma_semaphore, #tpu.memory_space<semaphore_mem>>) src(%arg5 : memref<639x128xf32, #tpu.memory_space<hbm>>) dst(%dma_wait3A_15 : memref<639x128xf32, #tpu.memory_space<vmem_shared>>)
      tpu.yield
    }) : () -> ()
    %mul3A_3 = arith.constant 639 : i32
    %mul3A_4 = arith.muli %arg1, %mul3A_3 : i32
    "tpu.region"() ({
      %run_scoped3A = tpu.sem_alloc : memref<!tpu.dma_semaphore, #tpu.memory_space<semaphore_mem>>
      %dma_start3A = arith.constant 0 : i32
      %dma_start3A_14 = tpu.memref_slice %arg15[%mul3A_4, %dma_start3A] : memref<10224x16xf32, #tpu.memory_space<vmem_shared>> -> memref<639x16xf32, #tpu.memory_space<vmem_shared>>
      %dma_start3A_15 = arith.constant 0 : i32
      %dma_start3A_16 = arith.constant 0 : i32
      %dma_start3A_17 = tpu.memref_slice %arg5[%dma_start3A_15, %dma_start3A_16] : memref<639x128xf32, #tpu.memory_space<hbm>> -> memref<639x16xf32, #tpu.memory_space<hbm>>
      tpu.enqueue_dma source(%dma_start3A_17 : memref<639x16xf32, #tpu.memory_space<hbm>>) target(%dma_start3A_14 : memref<639x16xf32, #tpu.memory_space<vmem_shared>>) target_semaphore(%run_scoped3A : memref<!tpu.dma_semaphore, #tpu.memory_space<semaphore_mem>>)
      %dma_wait3A = arith.constant 0 : i32
      %dma_wait3A_18 = tpu.memref_slice %arg15[%mul3A_4, %dma_wait3A] : memref<10224x16xf32, #tpu.memory_space<vmem_shared>> -> memref<639x16xf32, #tpu.memory_space<vmem_shared>>
      %dma_wait3A_19 = arith.constant 0 : i32
      %dma_wait3A_20 = arith.constant 0 : i32
      %dma_wait3A_21 = tpu.memref_slice %arg5[%dma_wait3A_19, %dma_wait3A_20] : memref<639x128xf32, #tpu.memory_space<hbm>> -> memref<639x16xf32, #tpu.memory_space<hbm>>
      tpu.wait_dma2 semaphore(%run_scoped3A : memref<!tpu.dma_semaphore, #tpu.memory_space<semaphore_mem>>) src(%dma_wait3A_21 : memref<639x16xf32, #tpu.memory_space<hbm>>) dst(%dma_wait3A_18 : memref<639x16xf32, #tpu.memory_space<vmem_shared>>)
      tpu.yield
    }) : () -> ()
    %barrier3A = arith.constant 0 : index
    tpu.barrier barrier_id(%barrier3A)
    %scan3A = arith.constant 0 : i32
    %scan3A_5 = arith.constant 0 : i32
    %scan3A_6 = arith.constant 10 : i32
    %scan3A_7 = arith.addi %scan3A_5, %scan3A_6 : i32
    %scan3A_8 = arith.constant 1 : i32
    %scan3A_9 = scf.for %scan3A_14 = %scan3A_5 to %scan3A_7 step %scan3A_8 iter_args(%scan3A_15 = %scan3A) -> (i32)  : i32 {
      %run_scoped3A = arith.constant 0 : i32
      "tpu.region"() ({
        %run_scoped3A_464 = tpu.sem_alloc : memref<!tpu.dma_semaphore, #tpu.memory_space<semaphore_mem>>
        %dma_start3A_465 = arith.constant 0 : i32
        %dma_start3A_466 = arith.constant 0 : i32
        %dma_start3A_467 = tpu.memref_slice %arg4[%run_scoped3A, %add3A, %scan3A_14, %dma_start3A_465, %dma_start3A_466] : memref<2x32x10x8x128xi32, #tpu.memory_space<hbm>> -> memref<1x1x1x8x128xi32, #tpu.memory_space<hbm>>
        %dma_start3A_468 = tpu.memref_squeeze %dma_start3A_467 : memref<1x1x1x8x128xi32, #tpu.memory_space<hbm>> -> memref<8x128xi32, #tpu.memory_space<hbm>>
        %dma_start3A_469 = arith.constant 0 : i32
        %dma_start3A_470 = arith.constant 0 : i32
        %dma_start3A_471 = tpu.memref_slice %arg4[%run_scoped3A, %add3A, %scan3A_14, %dma_start3A_469, %dma_start3A_470] : memref<2x32x10x8x128xi32, #tpu.memory_space<hbm>> -> memref<1x1x1x8x128xi32, #tpu.memory_space<hbm>>
        %dma_start3A_472 = tpu.memref_squeeze %dma_start3A_471 : memref<1x1x1x8x128xi32, #tpu.memory_space<hbm>> -> memref<8x128xi32, #tpu.memory_space<hbm>>
        tpu.enqueue_dma source(%dma_start3A_472 : memref<8x128xi32, #tpu.memory_space<hbm>>) target(%arg8 : memref<8x128xi32, #tpu.memory_space<vmem>>) target_semaphore(%run_scoped3A_464 : memref<!tpu.dma_semaphore, #tpu.memory_space<semaphore_mem>>)
        %dma_wait3A_473 = arith.constant 0 : i32
        %dma_wait3A_474 = arith.constant 0 : i32
        %dma_wait3A_475 = tpu.memref_slice %arg4[%run_scoped3A, %add3A, %scan3A_14, %dma_wait3A_473, %dma_wait3A_474] : memref<2x32x10x8x128xi32, #tpu.memory_space<hbm>> -> memref<1x1x1x8x128xi32, #tpu.memory_space<hbm>>
        %dma_wait3A_476 = tpu.memref_squeeze %dma_wait3A_475 : memref<1x1x1x8x128xi32, #tpu.memory_space<hbm>> -> memref<8x128xi32, #tpu.memory_space<hbm>>
        %dma_wait3A_477 = arith.constant 0 : i32
        %dma_wait3A_478 = arith.constant 0 : i32
        %dma_wait3A_479 = tpu.memref_slice %arg4[%run_scoped3A, %add3A, %scan3A_14, %dma_wait3A_477, %dma_wait3A_478] : memref<2x32x10x8x128xi32, #tpu.memory_space<hbm>> -> memref<1x1x1x8x128xi32, #tpu.memory_space<hbm>>
        %dma_wait3A_480 = tpu.memref_squeeze %dma_wait3A_479 : memref<1x1x1x8x128xi32, #tpu.memory_space<hbm>> -> memref<8x128xi32, #tpu.memory_space<hbm>>
        tpu.wait_dma2 semaphore(%run_scoped3A_464 : memref<!tpu.dma_semaphore, #tpu.memory_space<semaphore_mem>>) src(%dma_wait3A_480 : memref<8x128xi32, #tpu.memory_space<hbm>>) dst(%arg8 : memref<8x128xi32, #tpu.memory_space<vmem>>)
        tpu.yield
      }) : () -> ()
      %run_scoped3A_16 = arith.constant 1 : i32
      "tpu.region"() ({
        %run_scoped3A_464 = tpu.sem_alloc : memref<!tpu.dma_semaphore, #tpu.memory_space<semaphore_mem>>
        %dma_start3A_465 = arith.constant 0 : i32
        %dma_start3A_466 = arith.constant 0 : i32
        %dma_start3A_467 = tpu.memref_slice %arg4[%run_scoped3A_16, %add3A, %scan3A_14, %dma_start3A_465, %dma_start3A_466] : memref<2x32x10x8x128xi32, #tpu.memory_space<hbm>> -> memref<1x1x1x8x128xi32, #tpu.memory_space<hbm>>
        %dma_start3A_468 = tpu.memref_squeeze %dma_start3A_467 : memref<1x1x1x8x128xi32, #tpu.memory_space<hbm>> -> memref<8x128xi32, #tpu.memory_space<hbm>>
        %dma_start3A_469 = arith.constant 0 : i32
        %dma_start3A_470 = arith.constant 0 : i32
        %dma_start3A_471 = tpu.memref_slice %arg4[%run_scoped3A_16, %add3A, %scan3A_14, %dma_start3A_469, %dma_start3A_470] : memref<2x32x10x8x128xi32, #tpu.memory_space<hbm>> -> memref<1x1x1x8x128xi32, #tpu.memory_space<hbm>>
        %dma_start3A_472 = tpu.memref_squeeze %dma_start3A_471 : memref<1x1x1x8x128xi32, #tpu.memory_space<hbm>> -> memref<8x128xi32, #tpu.memory_space<hbm>>
        tpu.enqueue_dma source(%dma_start3A_472 : memref<8x128xi32, #tpu.memory_space<hbm>>) target(%arg9 : memref<8x128xi32, #tpu.memory_space<vmem>>) target_semaphore(%run_scoped3A_464 : memref<!tpu.dma_semaphore, #tpu.memory_space<semaphore_mem>>)
        %dma_wait3A_473 = arith.constant 0 : i32
        %dma_wait3A_474 = arith.constant 0 : i32
        %dma_wait3A_475 = tpu.memref_slice %arg4[%run_scoped3A_16, %add3A, %scan3A_14, %dma_wait3A_473, %dma_wait3A_474] : memref<2x32x10x8x128xi32, #tpu.memory_space<hbm>> -> memref<1x1x1x8x128xi32, #tpu.memory_space<hbm>>
        %dma_wait3A_476 = tpu.memref_squeeze %dma_wait3A_475 : memref<1x1x1x8x128xi32, #tpu.memory_space<hbm>> -> memref<8x128xi32, #tpu.memory_space<hbm>>
        %dma_wait3A_477 = arith.constant 0 : i32
        %dma_wait3A_478 = arith.constant 0 : i32
        %dma_wait3A_479 = tpu.memref_slice %arg4[%run_scoped3A_16, %add3A, %scan3A_14, %dma_wait3A_477, %dma_wait3A_478] : memref<2x32x10x8x128xi32, #tpu.memory_space<hbm>> -> memref<1x1x1x8x128xi32, #tpu.memory_space<hbm>>
        %dma_wait3A_480 = tpu.memref_squeeze %dma_wait3A_479 : memref<1x1x1x8x128xi32, #tpu.memory_space<hbm>> -> memref<8x128xi32, #tpu.memory_space<hbm>>
        tpu.wait_dma2 semaphore(%run_scoped3A_464 : memref<!tpu.dma_semaphore, #tpu.memory_space<semaphore_mem>>) src(%dma_wait3A_480 : memref<8x128xi32, #tpu.memory_space<hbm>>) dst(%arg9 : memref<8x128xi32, #tpu.memory_space<vmem>>)
        tpu.yield
      }) : () -> ()
      %dma_start3A = arith.constant 0 : i32
      %dma_start3A_17 = arith.constant 0 : i32
      %dma_start3A_18 = tpu.memref_slice %arg9[%dma_start3A, %dma_start3A_17] : memref<8x128xi32, #tpu.memory_space<vmem>> -> memref<1x128xi32, #tpu.memory_space<vmem>>
      %dma_start3A_19 = tpu.memref_squeeze %dma_start3A_18 : memref<1x128xi32, #tpu.memory_space<vmem>> -> memref<128xi32, #tpu.memory_space<vmem>>
      %dma_start3A_20 = arith.constant 0 : i32
      %dma_start3A_21 = arith.constant 0 : i32
      %dma_start3A_22 = tpu.memref_slice %arg2[%dma_start3A_20, %dma_start3A_21] : memref<10000x128xf32, #tpu.memory_space<hbm>> -> memref<10000x128xf32, #tpu.memory_space<hbm>>
      tpu.enqueue_indirect_dma source(%dma_start3A_22 : memref<10000x128xf32, #tpu.memory_space<hbm>>) target(%arg10 : memref<128x128xf32, #tpu.memory_space<vmem>>) offsets(%dma_start3A_19 : memref<128xi32, #tpu.memory_space<vmem>>) semaphore(%arg16 : memref<!tpu.dma_semaphore, #tpu.memory_space<semaphore_mem>>)
      %dma_start3A_23 = arith.constant 0 : i32
      %dma_start3A_24 = arith.constant 0 : i32
      %dma_start3A_25 = tpu.memref_slice %arg9[%dma_start3A_23, %dma_start3A_24] : memref<8x128xi32, #tpu.memory_space<vmem>> -> memref<1x128xi32, #tpu.memory_space<vmem>>
      %dma_start3A_26 = tpu.memref_squeeze %dma_start3A_25 : memref<1x128xi32, #tpu.memory_space<vmem>> -> memref<128xi32, #tpu.memory_space<vmem>>
      %dma_start3A_27 = arith.constant 0 : i32
      %dma_start3A_28 = arith.constant 0 : i32
      %dma_start3A_29 = tpu.memref_slice %arg3[%dma_start3A_27, %dma_start3A_28] : memref<10224x16xf32, #tpu.memory_space<hbm>> -> memref<10224x16xf32, #tpu.memory_space<hbm>>
      tpu.enqueue_indirect_dma source(%dma_start3A_29 : memref<10224x16xf32, #tpu.memory_space<hbm>>) target(%arg12 : memref<128x16xf32, #tpu.memory_space<vmem>>) offsets(%dma_start3A_26 : memref<128xi32, #tpu.memory_space<vmem>>) semaphore(%arg16 : memref<!tpu.dma_semaphore, #tpu.memory_space<semaphore_mem>>)
      %dma_start3A_30 = arith.constant 1 : i32
      %dma_start3A_31 = arith.constant 0 : i32
      %dma_start3A_32 = tpu.memref_slice %arg9[%dma_start3A_30, %dma_start3A_31] : memref<8x128xi32, #tpu.memory_space<vmem>> -> memref<1x128xi32, #tpu.memory_space<vmem>>
      %dma_start3A_33 = tpu.memref_squeeze %dma_start3A_32 : memref<1x128xi32, #tpu.memory_space<vmem>> -> memref<128xi32, #tpu.memory_space<vmem>>
      %dma_start3A_34 = arith.constant 0 : i32
      %dma_start3A_35 = arith.constant 0 : i32
      %dma_start3A_36 = tpu.memref_slice %arg2[%dma_start3A_34, %dma_start3A_35] : memref<10000x128xf32, #tpu.memory_space<hbm>> -> memref<10000x128xf32, #tpu.memory_space<hbm>>
      tpu.enqueue_indirect_dma source(%dma_start3A_36 : memref<10000x128xf32, #tpu.memory_space<hbm>>) target(%arg11 : memref<128x128xf32, #tpu.memory_space<vmem>>) offsets(%dma_start3A_33 : memref<128xi32, #tpu.memory_space<vmem>>) semaphore(%arg17 : memref<!tpu.dma_semaphore, #tpu.memory_space<semaphore_mem>>)
      %dma_start3A_37 = arith.constant 1 : i32
      %dma_start3A_38 = arith.constant 0 : i32
      %dma_start3A_39 = tpu.memref_slice %arg9[%dma_start3A_37, %dma_start3A_38] : memref<8x128xi32, #tpu.memory_space<vmem>> -> memref<1x128xi32, #tpu.memory_space<vmem>>
      %dma_start3A_40 = tpu.memref_squeeze %dma_start3A_39 : memref<1x128xi32, #tpu.memory_space<vmem>> -> memref<128xi32, #tpu.memory_space<vmem>>
      %dma_start3A_41 = arith.constant 0 : i32
      %dma_start3A_42 = arith.constant 0 : i32
      %dma_start3A_43 = tpu.memref_slice %arg3[%dma_start3A_41, %dma_start3A_42] : memref<10224x16xf32, #tpu.memory_space<hbm>> -> memref<10224x16xf32, #tpu.memory_space<hbm>>
      tpu.enqueue_indirect_dma source(%dma_start3A_43 : memref<10224x16xf32, #tpu.memory_space<hbm>>) target(%arg13 : memref<128x16xf32, #tpu.memory_space<vmem>>) offsets(%dma_start3A_40 : memref<128xi32, #tpu.memory_space<vmem>>) semaphore(%arg17 : memref<!tpu.dma_semaphore, #tpu.memory_space<semaphore_mem>>)
      %dma_wait3A = arith.constant 0 : i32
      %dma_wait3A_44 = arith.constant 0 : i32
      %dma_wait3A_45 = tpu.memref_slice %arg9[%dma_wait3A, %dma_wait3A_44] : memref<8x128xi32, #tpu.memory_space<vmem>> -> memref<1x128xi32, #tpu.memory_space<vmem>>
      %dma_wait3A_46 = tpu.memref_squeeze %dma_wait3A_45 : memref<1x128xi32, #tpu.memory_space<vmem>> -> memref<128xi32, #tpu.memory_space<vmem>>
      %dma_wait3A_47 = arith.constant 0 : i32
      %dma_wait3A_48 = arith.constant 0 : i32
      %dma_wait3A_49 = tpu.memref_slice %arg2[%dma_wait3A_47, %dma_wait3A_48] : memref<10000x128xf32, #tpu.memory_space<hbm>> -> memref<10000x128xf32, #tpu.memory_space<hbm>>
      tpu.wait_indirect_dma semaphore(%arg16 : memref<!tpu.dma_semaphore, #tpu.memory_space<semaphore_mem>>) src(%dma_wait3A_49 : memref<10000x128xf32, #tpu.memory_space<hbm>>) dst(%arg10 : memref<128x128xf32, #tpu.memory_space<vmem>>)
      %dma_wait3A_50 = arith.constant 0 : i32
      %dma_wait3A_51 = arith.constant 0 : i32
      %dma_wait3A_52 = tpu.memref_slice %arg9[%dma_wait3A_50, %dma_wait3A_51] : memref<8x128xi32, #tpu.memory_space<vmem>> -> memref<1x128xi32, #tpu.memory_space<vmem>>
      %dma_wait3A_53 = tpu.memref_squeeze %dma_wait3A_52 : memref<1x128xi32, #tpu.memory_space<vmem>> -> memref<128xi32, #tpu.memory_space<vmem>>
      %dma_wait3A_54 = arith.constant 0 : i32
      %dma_wait3A_55 = arith.constant 0 : i32
      %dma_wait3A_56 = tpu.memref_slice %arg3[%dma_wait3A_54, %dma_wait3A_55] : memref<10224x16xf32, #tpu.memory_space<hbm>> -> memref<10224x16xf32, #tpu.memory_space<hbm>>
      tpu.wait_indirect_dma semaphore(%arg16 : memref<!tpu.dma_semaphore, #tpu.memory_space<semaphore_mem>>) src(%dma_wait3A_56 : memref<10224x16xf32, #tpu.memory_space<hbm>>) dst(%arg12 : memref<128x16xf32, #tpu.memory_space<vmem>>)
      %dma_start3A_57 = arith.constant 0 : i32
      %dma_start3A_58 = arith.constant 0 : i32
      %dma_start3A_59 = tpu.memref_slice %arg8[%dma_start3A_57, %dma_start3A_58] : memref<8x128xi32, #tpu.memory_space<vmem>> -> memref<1x128xi32, #tpu.memory_space<vmem>>
      %dma_start3A_60 = tpu.memref_squeeze %dma_start3A_59 : memref<1x128xi32, #tpu.memory_space<vmem>> -> memref<128xi32, #tpu.memory_space<vmem>>
      %dma_start3A_61 = arith.constant 0 : i32
      %dma_start3A_62 = arith.constant 0 : i32
      %dma_start3A_63 = tpu.memref_slice %arg14[%dma_start3A_61, %dma_start3A_62] : memref<10224x128xf32, #tpu.memory_space<vmem_shared>> -> memref<10224x128xf32, #tpu.memory_space<vmem_shared>>
      tpu.enqueue_indirect_dma source(%arg10 : memref<128x128xf32, #tpu.memory_space<vmem>>) target(%dma_start3A_63 : memref<10224x128xf32, #tpu.memory_space<vmem_shared>>) offsets(%dma_start3A_60 : memref<128xi32, #tpu.memory_space<vmem>>) semaphore(%arg18 : memref<!tpu.dma_semaphore, #tpu.memory_space<semaphore_mem>>) {add = true}
      %dma_start3A_64 = arith.constant 0 : i32
      %dma_start3A_65 = arith.constant 0 : i32
      %dma_start3A_66 = tpu.memref_slice %arg8[%dma_start3A_64, %dma_start3A_65] : memref<8x128xi32, #tpu.memory_space<vmem>> -> memref<1x128xi32, #tpu.memory_space<vmem>>
      %dma_start3A_67 = tpu.memref_squeeze %dma_start3A_66 : memref<1x128xi32, #tpu.memory_space<vmem>> -> memref<128xi32, #tpu.memory_space<vmem>>
      %dma_start3A_68 = arith.constant 0 : i32
      %dma_start3A_69 = arith.constant 0 : i32
      %dma_start3A_70 = tpu.memref_slice %arg15[%dma_start3A_68, %dma_start3A_69] : memref<10224x16xf32, #tpu.memory_space<vmem_shared>> -> memref<10224x16xf32, #tpu.memory_space<vmem_shared>>
      tpu.enqueue_indirect_dma source(%arg12 : memref<128x16xf32, #tpu.memory_space<vmem>>) target(%dma_start3A_70 : memref<10224x16xf32, #tpu.memory_space<vmem_shared>>) offsets(%dma_start3A_67 : memref<128xi32, #tpu.memory_space<vmem>>) semaphore(%arg18 : memref<!tpu.dma_semaphore, #tpu.memory_space<semaphore_mem>>) {add = true}
      %dma_wait3A_71 = arith.constant 0 : i32
      %dma_wait3A_72 = arith.constant 0 : i32
      %dma_wait3A_73 = tpu.memref_slice %arg8[%dma_wait3A_71, %dma_wait3A_72] : memref<8x128xi32, #tpu.memory_space<vmem>> -> memref<1x128xi32, #tpu.memory_space<vmem>>
      %dma_wait3A_74 = tpu.memref_squeeze %dma_wait3A_73 : memref<1x128xi32, #tpu.memory_space<vmem>> -> memref<128xi32, #tpu.memory_space<vmem>>
      %dma_wait3A_75 = arith.constant 0 : i32
      %dma_wait3A_76 = arith.constant 0 : i32
      %dma_wait3A_77 = tpu.memref_slice %arg14[%dma_wait3A_75, %dma_wait3A_76] : memref<10224x128xf32, #tpu.memory_space<vmem_shared>> -> memref<10224x128xf32, #tpu.memory_space<vmem_shared>>
      tpu.wait_indirect_dma semaphore(%arg18 : memref<!tpu.dma_semaphore, #tpu.memory_space<semaphore_mem>>) src(%arg10 : memref<128x128xf32, #tpu.memory_space<vmem>>) dst(%dma_wait3A_77 : memref<10224x128xf32, #tpu.memory_space<vmem_shared>>)
      %dma_wait3A_78 = arith.constant 0 : i32
      %dma_wait3A_79 = arith.constant 0 : i32
      %dma_wait3A_80 = tpu.memref_slice %arg8[%dma_wait3A_78, %dma_wait3A_79] : memref<8x128xi32, #tpu.memory_space<vmem>> -> memref<1x128xi32, #tpu.memory_space<vmem>>
      %dma_wait3A_81 = tpu.memref_squeeze %dma_wait3A_80 : memref<1x128xi32, #tpu.memory_space<vmem>> -> memref<128xi32, #tpu.memory_space<vmem>>
      %dma_wait3A_82 = arith.constant 0 : i32
      %dma_wait3A_83 = arith.constant 0 : i32
      %dma_wait3A_84 = tpu.memref_slice %arg15[%dma_wait3A_82, %dma_wait3A_83] : memref<10224x16xf32, #tpu.memory_space<vmem_shared>> -> memref<10224x16xf32, #tpu.memory_space<vmem_shared>>
      tpu.wait_indirect_dma semaphore(%arg18 : memref<!tpu.dma_semaphore, #tpu.memory_space<semaphore_mem>>) src(%arg12 : memref<128x16xf32, #tpu.memory_space<vmem>>) dst(%dma_wait3A_84 : memref<10224x16xf32, #tpu.memory_space<vmem_shared>>)
      %dma_start3A_85 = arith.constant 2 : i32
      %dma_start3A_86 = arith.constant 0 : i32
      %dma_start3A_87 = tpu.memref_slice %arg9[%dma_start3A_85, %dma_start3A_86] : memref<8x128xi32, #tpu.memory_space<vmem>> -> memref<1x128xi32, #tpu.memory_space<vmem>>
      %dma_start3A_88 = tpu.memref_squeeze %dma_start3A_87 : memref<1x128xi32, #tpu.memory_space<vmem>> -> memref<128xi32, #tpu.memory_space<vmem>>
      %dma_start3A_89 = arith.constant 0 : i32
      %dma_start3A_90 = arith.constant 0 : i32
      %dma_start3A_91 = tpu.memref_slice %arg2[%dma_start3A_89, %dma_start3A_90] : memref<10000x128xf32, #tpu.memory_space<hbm>> -> memref<10000x128xf32, #tpu.memory_space<hbm>>
      tpu.enqueue_indirect_dma source(%dma_start3A_91 : memref<10000x128xf32, #tpu.memory_space<hbm>>) target(%arg10 : memref<128x128xf32, #tpu.memory_space<vmem>>) offsets(%dma_start3A_88 : memref<128xi32, #tpu.memory_space<vmem>>) semaphore(%arg16 : memref<!tpu.dma_semaphore, #tpu.memory_space<semaphore_mem>>)
      %dma_start3A_92 = arith.constant 2 : i32
      %dma_start3A_93 = arith.constant 0 : i32
      %dma_start3A_94 = tpu.memref_slice %arg9[%dma_start3A_92, %dma_start3A_93] : memref<8x128xi32, #tpu.memory_space<vmem>> -> memref<1x128xi32, #tpu.memory_space<vmem>>
      %dma_start3A_95 = tpu.memref_squeeze %dma_start3A_94 : memref<1x128xi32, #tpu.memory_space<vmem>> -> memref<128xi32, #tpu.memory_space<vmem>>
      %dma_start3A_96 = arith.constant 0 : i32
      %dma_start3A_97 = arith.constant 0 : i32
      %dma_start3A_98 = tpu.memref_slice %arg3[%dma_start3A_96, %dma_start3A_97] : memref<10224x16xf32, #tpu.memory_space<hbm>> -> memref<10224x16xf32, #tpu.memory_space<hbm>>
      tpu.enqueue_indirect_dma source(%dma_start3A_98 : memref<10224x16xf32, #tpu.memory_space<hbm>>) target(%arg12 : memref<128x16xf32, #tpu.memory_space<vmem>>) offsets(%dma_start3A_95 : memref<128xi32, #tpu.memory_space<vmem>>) semaphore(%arg16 : memref<!tpu.dma_semaphore, #tpu.memory_space<semaphore_mem>>)
      %dma_wait3A_99 = arith.constant 1 : i32
      %dma_wait3A_100 = arith.constant 0 : i32
      %dma_wait3A_101 = tpu.memref_slice %arg9[%dma_wait3A_99, %dma_wait3A_100] : memref<8x128xi32, #tpu.memory_space<vmem>> -> memref<1x128xi32, #tpu.memory_space<vmem>>
      %dma_wait3A_102 = tpu.memref_squeeze %dma_wait3A_101 : memref<1x128xi32, #tpu.memory_space<vmem>> -> memref<128xi32, #tpu.memory_space<vmem>>
      %dma_wait3A_103 = arith.constant 0 : i32
      %dma_wait3A_104 = arith.constant 0 : i32
      %dma_wait3A_105 = tpu.memref_slice %arg2[%dma_wait3A_103, %dma_wait3A_104] : memref<10000x128xf32, #tpu.memory_space<hbm>> -> memref<10000x128xf32, #tpu.memory_space<hbm>>
      tpu.wait_indirect_dma semaphore(%arg17 : memref<!tpu.dma_semaphore, #tpu.memory_space<semaphore_mem>>) src(%dma_wait3A_105 : memref<10000x128xf32, #tpu.memory_space<hbm>>) dst(%arg11 : memref<128x128xf32, #tpu.memory_space<vmem>>)
      %dma_wait3A_106 = arith.constant 1 : i32
      %dma_wait3A_107 = arith.constant 0 : i32
      %dma_wait3A_108 = tpu.memref_slice %arg9[%dma_wait3A_106, %dma_wait3A_107] : memref<8x128xi32, #tpu.memory_space<vmem>> -> memref<1x128xi32, #tpu.memory_space<vmem>>
      %dma_wait3A_109 = tpu.memref_squeeze %dma_wait3A_108 : memref<1x128xi32, #tpu.memory_space<vmem>> -> memref<128xi32, #tpu.memory_space<vmem>>
      %dma_wait3A_110 = arith.constant 0 : i32
      %dma_wait3A_111 = arith.constant 0 : i32
      %dma_wait3A_112 = tpu.memref_slice %arg3[%dma_wait3A_110, %dma_wait3A_111] : memref<10224x16xf32, #tpu.memory_space<hbm>> -> memref<10224x16xf32, #tpu.memory_space<hbm>>
      tpu.wait_indirect_dma semaphore(%arg17 : memref<!tpu.dma_semaphore, #tpu.memory_space<semaphore_mem>>) src(%dma_wait3A_112 : memref<10224x16xf32, #tpu.memory_space<hbm>>) dst(%arg13 : memref<128x16xf32, #tpu.memory_space<vmem>>)
      %dma_start3A_113 = arith.constant 1 : i32
      %dma_start3A_114 = arith.constant 0 : i32
      %dma_start3A_115 = tpu.memref_slice %arg8[%dma_start3A_113, %dma_start3A_114] : memref<8x128xi32, #tpu.memory_space<vmem>> -> memref<1x128xi32, #tpu.memory_space<vmem>>
      %dma_start3A_116 = tpu.memref_squeeze %dma_start3A_115 : memref<1x128xi32, #tpu.memory_space<vmem>> -> memref<128xi32, #tpu.memory_space<vmem>>
      %dma_start3A_117 = arith.constant 0 : i32
      %dma_start3A_118 = arith.constant 0 : i32
      %dma_start3A_119 = tpu.memref_slice %arg14[%dma_start3A_117, %dma_start3A_118] : memref<10224x128xf32, #tpu.memory_space<vmem_shared>> -> memref<10224x128xf32, #tpu.memory_space<vmem_shared>>
      tpu.enqueue_indirect_dma source(%arg11 : memref<128x128xf32, #tpu.memory_space<vmem>>) target(%dma_start3A_119 : memref<10224x128xf32, #tpu.memory_space<vmem_shared>>) offsets(%dma_start3A_116 : memref<128xi32, #tpu.memory_space<vmem>>) semaphore(%arg19 : memref<!tpu.dma_semaphore, #tpu.memory_space<semaphore_mem>>) {add = true}
      %dma_start3A_120 = arith.constant 1 : i32
      %dma_start3A_121 = arith.constant 0 : i32
      %dma_start3A_122 = tpu.memref_slice %arg8[%dma_start3A_120, %dma_start3A_121] : memref<8x128xi32, #tpu.memory_space<vmem>> -> memref<1x128xi32, #tpu.memory_space<vmem>>
      %dma_start3A_123 = tpu.memref_squeeze %dma_start3A_122 : memref<1x128xi32, #tpu.memory_space<vmem>> -> memref<128xi32, #tpu.memory_space<vmem>>
      %dma_start3A_124 = arith.constant 0 : i32
      %dma_start3A_125 = arith.constant 0 : i32
      %dma_start3A_126 = tpu.memref_slice %arg15[%dma_start3A_124, %dma_start3A_125] : memref<10224x16xf32, #tpu.memory_space<vmem_shared>> -> memref<10224x16xf32, #tpu.memory_space<vmem_shared>>
      tpu.enqueue_indirect_dma source(%arg13 : memref<128x16xf32, #tpu.memory_space<vmem>>) target(%dma_start3A_126 : memref<10224x16xf32, #tpu.memory_space<vmem_shared>>) offsets(%dma_start3A_123 : memref<128xi32, #tpu.memory_space<vmem>>) semaphore(%arg19 : memref<!tpu.dma_semaphore, #tpu.memory_space<semaphore_mem>>) {add = true}
      %dma_wait3A_127 = arith.constant 1 : i32
      %dma_wait3A_128 = arith.constant 0 : i32
      %dma_wait3A_129 = tpu.memref_slice %arg8[%dma_wait3A_127, %dma_wait3A_128] : memref<8x128xi32, #tpu.memory_space<vmem>> -> memref<1x128xi32, #tpu.memory_space<vmem>>
      %dma_wait3A_130 = tpu.memref_squeeze %dma_wait3A_129 : memref<1x128xi32, #tpu.memory_space<vmem>> -> memref<128xi32, #tpu.memory_space<vmem>>
      %dma_wait3A_131 = arith.constant 0 : i32
      %dma_wait3A_132 = arith.constant 0 : i32
      %dma_wait3A_133 = tpu.memref_slice %arg14[%dma_wait3A_131, %dma_wait3A_132] : memref<10224x128xf32, #tpu.memory_space<vmem_shared>> -> memref<10224x128xf32, #tpu.memory_space<vmem_shared>>
      tpu.wait_indirect_dma semaphore(%arg19 : memref<!tpu.dma_semaphore, #tpu.memory_space<semaphore_mem>>) src(%arg11 : memref<128x128xf32, #tpu.memory_space<vmem>>) dst(%dma_wait3A_133 : memref<10224x128xf32, #tpu.memory_space<vmem_shared>>)
      %dma_wait3A_134 = arith.constant 1 : i32
      %dma_wait3A_135 = arith.constant 0 : i32
      %dma_wait3A_136 = tpu.memref_slice %arg8[%dma_wait3A_134, %dma_wait3A_135] : memref<8x128xi32, #tpu.memory_space<vmem>> -> memref<1x128xi32, #tpu.memory_space<vmem>>
      %dma_wait3A_137 = tpu.memref_squeeze %dma_wait3A_136 : memref<1x128xi32, #tpu.memory_space<vmem>> -> memref<128xi32, #tpu.memory_space<vmem>>
      %dma_wait3A_138 = arith.constant 0 : i32
      %dma_wait3A_139 = arith.constant 0 : i32
      %dma_wait3A_140 = tpu.memref_slice %arg15[%dma_wait3A_138, %dma_wait3A_139] : memref<10224x16xf32, #tpu.memory_space<vmem_shared>> -> memref<10224x16xf32, #tpu.memory_space<vmem_shared>>
      tpu.wait_indirect_dma semaphore(%arg19 : memref<!tpu.dma_semaphore, #tpu.memory_space<semaphore_mem>>) src(%arg13 : memref<128x16xf32, #tpu.memory_space<vmem>>) dst(%dma_wait3A_140 : memref<10224x16xf32, #tpu.memory_space<vmem_shared>>)
      %dma_start3A_141 = arith.constant 3 : i32
      %dma_start3A_142 = arith.constant 0 : i32
      %dma_start3A_143 = tpu.memref_slice %arg9[%dma_start3A_141, %dma_start3A_142] : memref<8x128xi32, #tpu.memory_space<vmem>> -> memref<1x128xi32, #tpu.memory_space<vmem>>
      %dma_start3A_144 = tpu.memref_squeeze %dma_start3A_143 : memref<1x128xi32, #tpu.memory_space<vmem>> -> memref<128xi32, #tpu.memory_space<vmem>>
      %dma_start3A_145 = arith.constant 0 : i32
      %dma_start3A_146 = arith.constant 0 : i32
      %dma_start3A_147 = tpu.memref_slice %arg2[%dma_start3A_145, %dma_start3A_146] : memref<10000x128xf32, #tpu.memory_space<hbm>> -> memref<10000x128xf32, #tpu.memory_space<hbm>>
      tpu.enqueue_indirect_dma source(%dma_start3A_147 : memref<10000x128xf32, #tpu.memory_space<hbm>>) target(%arg11 : memref<128x128xf32, #tpu.memory_space<vmem>>) offsets(%dma_start3A_144 : memref<128xi32, #tpu.memory_space<vmem>>) semaphore(%arg17 : memref<!tpu.dma_semaphore, #tpu.memory_space<semaphore_mem>>)
      %dma_start3A_148 = arith.constant 3 : i32
      %dma_start3A_149 = arith.constant 0 : i32
      %dma_start3A_150 = tpu.memref_slice %arg9[%dma_start3A_148, %dma_start3A_149] : memref<8x128xi32, #tpu.memory_space<vmem>> -> memref<1x128xi32, #tpu.memory_space<vmem>>
      %dma_start3A_151 = tpu.memref_squeeze %dma_start3A_150 : memref<1x128xi32, #tpu.memory_space<vmem>> -> memref<128xi32, #tpu.memory_space<vmem>>
      %dma_start3A_152 = arith.constant 0 : i32
      %dma_start3A_153 = arith.constant 0 : i32
      %dma_start3A_154 = tpu.memref_slice %arg3[%dma_start3A_152, %dma_start3A_153] : memref<10224x16xf32, #tpu.memory_space<hbm>> -> memref<10224x16xf32, #tpu.memory_space<hbm>>
      tpu.enqueue_indirect_dma source(%dma_start3A_154 : memref<10224x16xf32, #tpu.memory_space<hbm>>) target(%arg13 : memref<128x16xf32, #tpu.memory_space<vmem>>) offsets(%dma_start3A_151 : memref<128xi32, #tpu.memory_space<vmem>>) semaphore(%arg17 : memref<!tpu.dma_semaphore, #tpu.memory_space<semaphore_mem>>)
      %dma_wait3A_155 = arith.constant 2 : i32
      %dma_wait3A_156 = arith.constant 0 : i32
      %dma_wait3A_157 = tpu.memref_slice %arg9[%dma_wait3A_155, %dma_wait3A_156] : memref<8x128xi32, #tpu.memory_space<vmem>> -> memref<1x128xi32, #tpu.memory_space<vmem>>
      %dma_wait3A_158 = tpu.memref_squeeze %dma_wait3A_157 : memref<1x128xi32, #tpu.memory_space<vmem>> -> memref<128xi32, #tpu.memory_space<vmem>>
      %dma_wait3A_159 = arith.constant 0 : i32
      %dma_wait3A_160 = arith.constant 0 : i32
      %dma_wait3A_161 = tpu.memref_slice %arg2[%dma_wait3A_159, %dma_wait3A_160] : memref<10000x128xf32, #tpu.memory_space<hbm>> -> memref<10000x128xf32, #tpu.memory_space<hbm>>
      tpu.wait_indirect_dma semaphore(%arg16 : memref<!tpu.dma_semaphore, #tpu.memory_space<semaphore_mem>>) src(%dma_wait3A_161 : memref<10000x128xf32, #tpu.memory_space<hbm>>) dst(%arg10 : memref<128x128xf32, #tpu.memory_space<vmem>>)
      %dma_wait3A_162 = arith.constant 2 : i32
      %dma_wait3A_163 = arith.constant 0 : i32
      %dma_wait3A_164 = tpu.memref_slice %arg9[%dma_wait3A_162, %dma_wait3A_163] : memref<8x128xi32, #tpu.memory_space<vmem>> -> memref<1x128xi32, #tpu.memory_space<vmem>>
      %dma_wait3A_165 = tpu.memref_squeeze %dma_wait3A_164 : memref<1x128xi32, #tpu.memory_space<vmem>> -> memref<128xi32, #tpu.memory_space<vmem>>
      %dma_wait3A_166 = arith.constant 0 : i32
      %dma_wait3A_167 = arith.constant 0 : i32
      %dma_wait3A_168 = tpu.memref_slice %arg3[%dma_wait3A_166, %dma_wait3A_167] : memref<10224x16xf32, #tpu.memory_space<hbm>> -> memref<10224x16xf32, #tpu.memory_space<hbm>>
      tpu.wait_indirect_dma semaphore(%arg16 : memref<!tpu.dma_semaphore, #tpu.memory_space<semaphore_mem>>) src(%dma_wait3A_168 : memref<10224x16xf32, #tpu.memory_space<hbm>>) dst(%arg12 : memref<128x16xf32, #tpu.memory_space<vmem>>)
      %dma_start3A_169 = arith.constant 2 : i32
      %dma_start3A_170 = arith.constant 0 : i32
      %dma_start3A_171 = tpu.memref_slice %arg8[%dma_start3A_169, %dma_start3A_170] : memref<8x128xi32, #tpu.memory_space<vmem>> -> memref<1x128xi32, #tpu.memory_space<vmem>>
      %dma_start3A_172 = tpu.memref_squeeze %dma_start3A_171 : memref<1x128xi32, #tpu.memory_space<vmem>> -> memref<128xi32, #tpu.memory_space<vmem>>
      %dma_start3A_173 = arith.constant 0 : i32
      %dma_start3A_174 = arith.constant 0 : i32
      %dma_start3A_175 = tpu.memref_slice %arg14[%dma_start3A_173, %dma_start3A_174] : memref<10224x128xf32, #tpu.memory_space<vmem_shared>> -> memref<10224x128xf32, #tpu.memory_space<vmem_shared>>
      tpu.enqueue_indirect_dma source(%arg10 : memref<128x128xf32, #tpu.memory_space<vmem>>) target(%dma_start3A_175 : memref<10224x128xf32, #tpu.memory_space<vmem_shared>>) offsets(%dma_start3A_172 : memref<128xi32, #tpu.memory_space<vmem>>) semaphore(%arg18 : memref<!tpu.dma_semaphore, #tpu.memory_space<semaphore_mem>>) {add = true}
      %dma_start3A_176 = arith.constant 2 : i32
      %dma_start3A_177 = arith.constant 0 : i32
      %dma_start3A_178 = tpu.memref_slice %arg8[%dma_start3A_176, %dma_start3A_177] : memref<8x128xi32, #tpu.memory_space<vmem>> -> memref<1x128xi32, #tpu.memory_space<vmem>>
      %dma_start3A_179 = tpu.memref_squeeze %dma_start3A_178 : memref<1x128xi32, #tpu.memory_space<vmem>> -> memref<128xi32, #tpu.memory_space<vmem>>
      %dma_start3A_180 = arith.constant 0 : i32
      %dma_start3A_181 = arith.constant 0 : i32
      %dma_start3A_182 = tpu.memref_slice %arg15[%dma_start3A_180, %dma_start3A_181] : memref<10224x16xf32, #tpu.memory_space<vmem_shared>> -> memref<10224x16xf32, #tpu.memory_space<vmem_shared>>
      tpu.enqueue_indirect_dma source(%arg12 : memref<128x16xf32, #tpu.memory_space<vmem>>) target(%dma_start3A_182 : memref<10224x16xf32, #tpu.memory_space<vmem_shared>>) offsets(%dma_start3A_179 : memref<128xi32, #tpu.memory_space<vmem>>) semaphore(%arg18 : memref<!tpu.dma_semaphore, #tpu.memory_space<semaphore_mem>>) {add = true}
      %dma_wait3A_183 = arith.constant 2 : i32
      %dma_wait3A_184 = arith.constant 0 : i32
      %dma_wait3A_185 = tpu.memref_slice %arg8[%dma_wait3A_183, %dma_wait3A_184] : memref<8x128xi32, #tpu.memory_space<vmem>> -> memref<1x128xi32, #tpu.memory_space<vmem>>
      %dma_wait3A_186 = tpu.memref_squeeze %dma_wait3A_185 : memref<1x128xi32, #tpu.memory_space<vmem>> -> memref<128xi32, #tpu.memory_space<vmem>>
      %dma_wait3A_187 = arith.constant 0 : i32
      %dma_wait3A_188 = arith.constant 0 : i32
      %dma_wait3A_189 = tpu.memref_slice %arg14[%dma_wait3A_187, %dma_wait3A_188] : memref<10224x128xf32, #tpu.memory_space<vmem_shared>> -> memref<10224x128xf32, #tpu.memory_space<vmem_shared>>
      tpu.wait_indirect_dma semaphore(%arg18 : memref<!tpu.dma_semaphore, #tpu.memory_space<semaphore_mem>>) src(%arg10 : memref<128x128xf32, #tpu.memory_space<vmem>>) dst(%dma_wait3A_189 : memref<10224x128xf32, #tpu.memory_space<vmem_shared>>)
      %dma_wait3A_190 = arith.constant 2 : i32
      %dma_wait3A_191 = arith.constant 0 : i32
      %dma_wait3A_192 = tpu.memref_slice %arg8[%dma_wait3A_190, %dma_wait3A_191] : memref<8x128xi32, #tpu.memory_space<vmem>> -> memref<1x128xi32, #tpu.memory_space<vmem>>
      %dma_wait3A_193 = tpu.memref_squeeze %dma_wait3A_192 : memref<1x128xi32, #tpu.memory_space<vmem>> -> memref<128xi32, #tpu.memory_space<vmem>>
      %dma_wait3A_194 = arith.constant 0 : i32
      %dma_wait3A_195 = arith.constant 0 : i32
      %dma_wait3A_196 = tpu.memref_slice %arg15[%dma_wait3A_194, %dma_wait3A_195] : memref<10224x16xf32, #tpu.memory_space<vmem_shared>> -> memref<10224x16xf32, #tpu.memory_space<vmem_shared>>
      tpu.wait_indirect_dma semaphore(%arg18 : memref<!tpu.dma_semaphore, #tpu.memory_space<semaphore_mem>>) src(%arg12 : memref<128x16xf32, #tpu.memory_space<vmem>>) dst(%dma_wait3A_196 : memref<10224x16xf32, #tpu.memory_space<vmem_shared>>)
      %dma_start3A_197 = arith.constant 4 : i32
      %dma_start3A_198 = arith.constant 0 : i32
      %dma_start3A_199 = tpu.memref_slice %arg9[%dma_start3A_197, %dma_start3A_198] : memref<8x128xi32, #tpu.memory_space<vmem>> -> memref<1x128xi32, #tpu.memory_space<vmem>>
      %dma_start3A_200 = tpu.memref_squeeze %dma_start3A_199 : memref<1x128xi32, #tpu.memory_space<vmem>> -> memref<128xi32, #tpu.memory_space<vmem>>
      %dma_start3A_201 = arith.constant 0 : i32
      %dma_start3A_202 = arith.constant 0 : i32
      %dma_start3A_203 = tpu.memref_slice %arg2[%dma_start3A_201, %dma_start3A_202] : memref<10000x128xf32, #tpu.memory_space<hbm>> -> memref<10000x128xf32, #tpu.memory_space<hbm>>
      tpu.enqueue_indirect_dma source(%dma_start3A_203 : memref<10000x128xf32, #tpu.memory_space<hbm>>) target(%arg10 : memref<128x128xf32, #tpu.memory_space<vmem>>) offsets(%dma_start3A_200 : memref<128xi32, #tpu.memory_space<vmem>>) semaphore(%arg16 : memref<!tpu.dma_semaphore, #tpu.memory_space<semaphore_mem>>)
      %dma_start3A_204 = arith.constant 4 : i32
      %dma_start3A_205 = arith.constant 0 : i32
      %dma_start3A_206 = tpu.memref_slice %arg9[%dma_start3A_204, %dma_start3A_205] : memref<8x128xi32, #tpu.memory_space<vmem>> -> memref<1x128xi32, #tpu.memory_space<vmem>>
      %dma_start3A_207 = tpu.memref_squeeze %dma_start3A_206 : memref<1x128xi32, #tpu.memory_space<vmem>> -> memref<128xi32, #tpu.memory_space<vmem>>
      %dma_start3A_208 = arith.constant 0 : i32
      %dma_start3A_209 = arith.constant 0 : i32
      %dma_start3A_210 = tpu.memref_slice %arg3[%dma_start3A_208, %dma_start3A_209] : memref<10224x16xf32, #tpu.memory_space<hbm>> -> memref<10224x16xf32, #tpu.memory_space<hbm>>
      tpu.enqueue_indirect_dma source(%dma_start3A_210 : memref<10224x16xf32, #tpu.memory_space<hbm>>) target(%arg12 : memref<128x16xf32, #tpu.memory_space<vmem>>) offsets(%dma_start3A_207 : memref<128xi32, #tpu.memory_space<vmem>>) semaphore(%arg16 : memref<!tpu.dma_semaphore, #tpu.memory_space<semaphore_mem>>)
      %dma_wait3A_211 = arith.constant 3 : i32
      %dma_wait3A_212 = arith.constant 0 : i32
      %dma_wait3A_213 = tpu.memref_slice %arg9[%dma_wait3A_211, %dma_wait3A_212] : memref<8x128xi32, #tpu.memory_space<vmem>> -> memref<1x128xi32, #tpu.memory_space<vmem>>
      %dma_wait3A_214 = tpu.memref_squeeze %dma_wait3A_213 : memref<1x128xi32, #tpu.memory_space<vmem>> -> memref<128xi32, #tpu.memory_space<vmem>>
      %dma_wait3A_215 = arith.constant 0 : i32
      %dma_wait3A_216 = arith.constant 0 : i32
      %dma_wait3A_217 = tpu.memref_slice %arg2[%dma_wait3A_215, %dma_wait3A_216] : memref<10000x128xf32, #tpu.memory_space<hbm>> -> memref<10000x128xf32, #tpu.memory_space<hbm>>
      tpu.wait_indirect_dma semaphore(%arg17 : memref<!tpu.dma_semaphore, #tpu.memory_space<semaphore_mem>>) src(%dma_wait3A_217 : memref<10000x128xf32, #tpu.memory_space<hbm>>) dst(%arg11 : memref<128x128xf32, #tpu.memory_space<vmem>>)
      %dma_wait3A_218 = arith.constant 3 : i32
      %dma_wait3A_219 = arith.constant 0 : i32
      %dma_wait3A_220 = tpu.memref_slice %arg9[%dma_wait3A_218, %dma_wait3A_219] : memref<8x128xi32, #tpu.memory_space<vmem>> -> memref<1x128xi32, #tpu.memory_space<vmem>>
      %dma_wait3A_221 = tpu.memref_squeeze %dma_wait3A_220 : memref<1x128xi32, #tpu.memory_space<vmem>> -> memref<128xi32, #tpu.memory_space<vmem>>
      %dma_wait3A_222 = arith.constant 0 : i32
      %dma_wait3A_223 = arith.constant 0 : i32
      %dma_wait3A_224 = tpu.memref_slice %arg3[%dma_wait3A_222, %dma_wait3A_223] : memref<10224x16xf32, #tpu.memory_space<hbm>> -> memref<10224x16xf32, #tpu.memory_space<hbm>>
      tpu.wait_indirect_dma semaphore(%arg17 : memref<!tpu.dma_semaphore, #tpu.memory_space<semaphore_mem>>) src(%dma_wait3A_224 : memref<10224x16xf32, #tpu.memory_space<hbm>>) dst(%arg13 : memref<128x16xf32, #tpu.memory_space<vmem>>)
      %dma_start3A_225 = arith.constant 3 : i32
      %dma_start3A_226 = arith.constant 0 : i32
      %dma_start3A_227 = tpu.memref_slice %arg8[%dma_start3A_225, %dma_start3A_226] : memref<8x128xi32, #tpu.memory_space<vmem>> -> memref<1x128xi32, #tpu.memory_space<vmem>>
      %dma_start3A_228 = tpu.memref_squeeze %dma_start3A_227 : memref<1x128xi32, #tpu.memory_space<vmem>> -> memref<128xi32, #tpu.memory_space<vmem>>
      %dma_start3A_229 = arith.constant 0 : i32
      %dma_start3A_230 = arith.constant 0 : i32
      %dma_start3A_231 = tpu.memref_slice %arg14[%dma_start3A_229, %dma_start3A_230] : memref<10224x128xf32, #tpu.memory_space<vmem_shared>> -> memref<10224x128xf32, #tpu.memory_space<vmem_shared>>
      tpu.enqueue_indirect_dma source(%arg11 : memref<128x128xf32, #tpu.memory_space<vmem>>) target(%dma_start3A_231 : memref<10224x128xf32, #tpu.memory_space<vmem_shared>>) offsets(%dma_start3A_228 : memref<128xi32, #tpu.memory_space<vmem>>) semaphore(%arg19 : memref<!tpu.dma_semaphore, #tpu.memory_space<semaphore_mem>>) {add = true}
      %dma_start3A_232 = arith.constant 3 : i32
      %dma_start3A_233 = arith.constant 0 : i32
      %dma_start3A_234 = tpu.memref_slice %arg8[%dma_start3A_232, %dma_start3A_233] : memref<8x128xi32, #tpu.memory_space<vmem>> -> memref<1x128xi32, #tpu.memory_space<vmem>>
      %dma_start3A_235 = tpu.memref_squeeze %dma_start3A_234 : memref<1x128xi32, #tpu.memory_space<vmem>> -> memref<128xi32, #tpu.memory_space<vmem>>
      %dma_start3A_236 = arith.constant 0 : i32
      %dma_start3A_237 = arith.constant 0 : i32
      %dma_start3A_238 = tpu.memref_slice %arg15[%dma_start3A_236, %dma_start3A_237] : memref<10224x16xf32, #tpu.memory_space<vmem_shared>> -> memref<10224x16xf32, #tpu.memory_space<vmem_shared>>
      tpu.enqueue_indirect_dma source(%arg13 : memref<128x16xf32, #tpu.memory_space<vmem>>) target(%dma_start3A_238 : memref<10224x16xf32, #tpu.memory_space<vmem_shared>>) offsets(%dma_start3A_235 : memref<128xi32, #tpu.memory_space<vmem>>) semaphore(%arg19 : memref<!tpu.dma_semaphore, #tpu.memory_space<semaphore_mem>>) {add = true}
      %dma_wait3A_239 = arith.constant 3 : i32
      %dma_wait3A_240 = arith.constant 0 : i32
      %dma_wait3A_241 = tpu.memref_slice %arg8[%dma_wait3A_239, %dma_wait3A_240] : memref<8x128xi32, #tpu.memory_space<vmem>> -> memref<1x128xi32, #tpu.memory_space<vmem>>
      %dma_wait3A_242 = tpu.memref_squeeze %dma_wait3A_241 : memref<1x128xi32, #tpu.memory_space<vmem>> -> memref<128xi32, #tpu.memory_space<vmem>>
      %dma_wait3A_243 = arith.constant 0 : i32
      %dma_wait3A_244 = arith.constant 0 : i32
      %dma_wait3A_245 = tpu.memref_slice %arg14[%dma_wait3A_243, %dma_wait3A_244] : memref<10224x128xf32, #tpu.memory_space<vmem_shared>> -> memref<10224x128xf32, #tpu.memory_space<vmem_shared>>
      tpu.wait_indirect_dma semaphore(%arg19 : memref<!tpu.dma_semaphore, #tpu.memory_space<semaphore_mem>>) src(%arg11 : memref<128x128xf32, #tpu.memory_space<vmem>>) dst(%dma_wait3A_245 : memref<10224x128xf32, #tpu.memory_space<vmem_shared>>)
      %dma_wait3A_246 = arith.constant 3 : i32
      %dma_wait3A_247 = arith.constant 0 : i32
      %dma_wait3A_248 = tpu.memref_slice %arg8[%dma_wait3A_246, %dma_wait3A_247] : memref<8x128xi32, #tpu.memory_space<vmem>> -> memref<1x128xi32, #tpu.memory_space<vmem>>
      %dma_wait3A_249 = tpu.memref_squeeze %dma_wait3A_248 : memref<1x128xi32, #tpu.memory_space<vmem>> -> memref<128xi32, #tpu.memory_space<vmem>>
      %dma_wait3A_250 = arith.constant 0 : i32
      %dma_wait3A_251 = arith.constant 0 : i32
      %dma_wait3A_252 = tpu.memref_slice %arg15[%dma_wait3A_250, %dma_wait3A_251] : memref<10224x16xf32, #tpu.memory_space<vmem_shared>> -> memref<10224x16xf32, #tpu.memory_space<vmem_shared>>
      tpu.wait_indirect_dma semaphore(%arg19 : memref<!tpu.dma_semaphore, #tpu.memory_space<semaphore_mem>>) src(%arg13 : memref<128x16xf32, #tpu.memory_space<vmem>>) dst(%dma_wait3A_252 : memref<10224x16xf32, #tpu.memory_space<vmem_shared>>)
      %dma_start3A_253 = arith.constant 5 : i32
      %dma_start3A_254 = arith.constant 0 : i32
      %dma_start3A_255 = tpu.memref_slice %arg9[%dma_start3A_253, %dma_start3A_254] : memref<8x128xi32, #tpu.memory_space<vmem>> -> memref<1x128xi32, #tpu.memory_space<vmem>>
      %dma_start3A_256 = tpu.memref_squeeze %dma_start3A_255 : memref<1x128xi32, #tpu.memory_space<vmem>> -> memref<128xi32, #tpu.memory_space<vmem>>
      %dma_start3A_257 = arith.constant 0 : i32
      %dma_start3A_258 = arith.constant 0 : i32
      %dma_start3A_259 = tpu.memref_slice %arg2[%dma_start3A_257, %dma_start3A_258] : memref<10000x128xf32, #tpu.memory_space<hbm>> -> memref<10000x128xf32, #tpu.memory_space<hbm>>
      tpu.enqueue_indirect_dma source(%dma_start3A_259 : memref<10000x128xf32, #tpu.memory_space<hbm>>) target(%arg11 : memref<128x128xf32, #tpu.memory_space<vmem>>) offsets(%dma_start3A_256 : memref<128xi32, #tpu.memory_space<vmem>>) semaphore(%arg17 : memref<!tpu.dma_semaphore, #tpu.memory_space<semaphore_mem>>)
      %dma_start3A_260 = arith.constant 5 : i32
      %dma_start3A_261 = arith.constant 0 : i32
      %dma_start3A_262 = tpu.memref_slice %arg9[%dma_start3A_260, %dma_start3A_261] : memref<8x128xi32, #tpu.memory_space<vmem>> -> memref<1x128xi32, #tpu.memory_space<vmem>>
      %dma_start3A_263 = tpu.memref_squeeze %dma_start3A_262 : memref<1x128xi32, #tpu.memory_space<vmem>> -> memref<128xi32, #tpu.memory_space<vmem>>
      %dma_start3A_264 = arith.constant 0 : i32
      %dma_start3A_265 = arith.constant 0 : i32
      %dma_start3A_266 = tpu.memref_slice %arg3[%dma_start3A_264, %dma_start3A_265] : memref<10224x16xf32, #tpu.memory_space<hbm>> -> memref<10224x16xf32, #tpu.memory_space<hbm>>
      tpu.enqueue_indirect_dma source(%dma_start3A_266 : memref<10224x16xf32, #tpu.memory_space<hbm>>) target(%arg13 : memref<128x16xf32, #tpu.memory_space<vmem>>) offsets(%dma_start3A_263 : memref<128xi32, #tpu.memory_space<vmem>>) semaphore(%arg17 : memref<!tpu.dma_semaphore, #tpu.memory_space<semaphore_mem>>)
      %dma_wait3A_267 = arith.constant 4 : i32
      %dma_wait3A_268 = arith.constant 0 : i32
      %dma_wait3A_269 = tpu.memref_slice %arg9[%dma_wait3A_267, %dma_wait3A_268] : memref<8x128xi32, #tpu.memory_space<vmem>> -> memref<1x128xi32, #tpu.memory_space<vmem>>
      %dma_wait3A_270 = tpu.memref_squeeze %dma_wait3A_269 : memref<1x128xi32, #tpu.memory_space<vmem>> -> memref<128xi32, #tpu.memory_space<vmem>>
      %dma_wait3A_271 = arith.constant 0 : i32
      %dma_wait3A_272 = arith.constant 0 : i32
      %dma_wait3A_273 = tpu.memref_slice %arg2[%dma_wait3A_271, %dma_wait3A_272] : memref<10000x128xf32, #tpu.memory_space<hbm>> -> memref<10000x128xf32, #tpu.memory_space<hbm>>
      tpu.wait_indirect_dma semaphore(%arg16 : memref<!tpu.dma_semaphore, #tpu.memory_space<semaphore_mem>>) src(%dma_wait3A_273 : memref<10000x128xf32, #tpu.memory_space<hbm>>) dst(%arg10 : memref<128x128xf32, #tpu.memory_space<vmem>>)
      %dma_wait3A_274 = arith.constant 4 : i32
      %dma_wait3A_275 = arith.constant 0 : i32
      %dma_wait3A_276 = tpu.memref_slice %arg9[%dma_wait3A_274, %dma_wait3A_275] : memref<8x128xi32, #tpu.memory_space<vmem>> -> memref<1x128xi32, #tpu.memory_space<vmem>>
      %dma_wait3A_277 = tpu.memref_squeeze %dma_wait3A_276 : memref<1x128xi32, #tpu.memory_space<vmem>> -> memref<128xi32, #tpu.memory_space<vmem>>
      %dma_wait3A_278 = arith.constant 0 : i32
      %dma_wait3A_279 = arith.constant 0 : i32
      %dma_wait3A_280 = tpu.memref_slice %arg3[%dma_wait3A_278, %dma_wait3A_279] : memref<10224x16xf32, #tpu.memory_space<hbm>> -> memref<10224x16xf32, #tpu.memory_space<hbm>>
      tpu.wait_indirect_dma semaphore(%arg16 : memref<!tpu.dma_semaphore, #tpu.memory_space<semaphore_mem>>) src(%dma_wait3A_280 : memref<10224x16xf32, #tpu.memory_space<hbm>>) dst(%arg12 : memref<128x16xf32, #tpu.memory_space<vmem>>)
      %dma_start3A_281 = arith.constant 4 : i32
      %dma_start3A_282 = arith.constant 0 : i32
      %dma_start3A_283 = tpu.memref_slice %arg8[%dma_start3A_281, %dma_start3A_282] : memref<8x128xi32, #tpu.memory_space<vmem>> -> memref<1x128xi32, #tpu.memory_space<vmem>>
      %dma_start3A_284 = tpu.memref_squeeze %dma_start3A_283 : memref<1x128xi32, #tpu.memory_space<vmem>> -> memref<128xi32, #tpu.memory_space<vmem>>
      %dma_start3A_285 = arith.constant 0 : i32
      %dma_start3A_286 = arith.constant 0 : i32
      %dma_start3A_287 = tpu.memref_slice %arg14[%dma_start3A_285, %dma_start3A_286] : memref<10224x128xf32, #tpu.memory_space<vmem_shared>> -> memref<10224x128xf32, #tpu.memory_space<vmem_shared>>
      tpu.enqueue_indirect_dma source(%arg10 : memref<128x128xf32, #tpu.memory_space<vmem>>) target(%dma_start3A_287 : memref<10224x128xf32, #tpu.memory_space<vmem_shared>>) offsets(%dma_start3A_284 : memref<128xi32, #tpu.memory_space<vmem>>) semaphore(%arg18 : memref<!tpu.dma_semaphore, #tpu.memory_space<semaphore_mem>>) {add = true}
      %dma_start3A_288 = arith.constant 4 : i32
      %dma_start3A_289 = arith.constant 0 : i32
      %dma_start3A_290 = tpu.memref_slice %arg8[%dma_start3A_288, %dma_start3A_289] : memref<8x128xi32, #tpu.memory_space<vmem>> -> memref<1x128xi32, #tpu.memory_space<vmem>>
      %dma_start3A_291 = tpu.memref_squeeze %dma_start3A_290 : memref<1x128xi32, #tpu.memory_space<vmem>> -> memref<128xi32, #tpu.memory_space<vmem>>
      %dma_start3A_292 = arith.constant 0 : i32
      %dma_start3A_293 = arith.constant 0 : i32
      %dma_start3A_294 = tpu.memref_slice %arg15[%dma_start3A_292, %dma_start3A_293] : memref<10224x16xf32, #tpu.memory_space<vmem_shared>> -> memref<10224x16xf32, #tpu.memory_space<vmem_shared>>
      tpu.enqueue_indirect_dma source(%arg12 : memref<128x16xf32, #tpu.memory_space<vmem>>) target(%dma_start3A_294 : memref<10224x16xf32, #tpu.memory_space<vmem_shared>>) offsets(%dma_start3A_291 : memref<128xi32, #tpu.memory_space<vmem>>) semaphore(%arg18 : memref<!tpu.dma_semaphore, #tpu.memory_space<semaphore_mem>>) {add = true}
      %dma_wait3A_295 = arith.constant 4 : i32
      %dma_wait3A_296 = arith.constant 0 : i32
      %dma_wait3A_297 = tpu.memref_slice %arg8[%dma_wait3A_295, %dma_wait3A_296] : memref<8x128xi32, #tpu.memory_space<vmem>> -> memref<1x128xi32, #tpu.memory_space<vmem>>
      %dma_wait3A_298 = tpu.memref_squeeze %dma_wait3A_297 : memref<1x128xi32, #tpu.memory_space<vmem>> -> memref<128xi32, #tpu.memory_space<vmem>>
      %dma_wait3A_299 = arith.constant 0 : i32
      %dma_wait3A_300 = arith.constant 0 : i32
      %dma_wait3A_301 = tpu.memref_slice %arg14[%dma_wait3A_299, %dma_wait3A_300] : memref<10224x128xf32, #tpu.memory_space<vmem_shared>> -> memref<10224x128xf32, #tpu.memory_space<vmem_shared>>
      tpu.wait_indirect_dma semaphore(%arg18 : memref<!tpu.dma_semaphore, #tpu.memory_space<semaphore_mem>>) src(%arg10 : memref<128x128xf32, #tpu.memory_space<vmem>>) dst(%dma_wait3A_301 : memref<10224x128xf32, #tpu.memory_space<vmem_shared>>)
      %dma_wait3A_302 = arith.constant 4 : i32
      %dma_wait3A_303 = arith.constant 0 : i32
      %dma_wait3A_304 = tpu.memref_slice %arg8[%dma_wait3A_302, %dma_wait3A_303] : memref<8x128xi32, #tpu.memory_space<vmem>> -> memref<1x128xi32, #tpu.memory_space<vmem>>
      %dma_wait3A_305 = tpu.memref_squeeze %dma_wait3A_304 : memref<1x128xi32, #tpu.memory_space<vmem>> -> memref<128xi32, #tpu.memory_space<vmem>>
      %dma_wait3A_306 = arith.constant 0 : i32
      %dma_wait3A_307 = arith.constant 0 : i32
      %dma_wait3A_308 = tpu.memref_slice %arg15[%dma_wait3A_306, %dma_wait3A_307] : memref<10224x16xf32, #tpu.memory_space<vmem_shared>> -> memref<10224x16xf32, #tpu.memory_space<vmem_shared>>
      tpu.wait_indirect_dma semaphore(%arg18 : memref<!tpu.dma_semaphore, #tpu.memory_space<semaphore_mem>>) src(%arg12 : memref<128x16xf32, #tpu.memory_space<vmem>>) dst(%dma_wait3A_308 : memref<10224x16xf32, #tpu.memory_space<vmem_shared>>)
      %dma_start3A_309 = arith.constant 6 : i32
      %dma_start3A_310 = arith.constant 0 : i32
      %dma_start3A_311 = tpu.memref_slice %arg9[%dma_start3A_309, %dma_start3A_310] : memref<8x128xi32, #tpu.memory_space<vmem>> -> memref<1x128xi32, #tpu.memory_space<vmem>>
      %dma_start3A_312 = tpu.memref_squeeze %dma_start3A_311 : memref<1x128xi32, #tpu.memory_space<vmem>> -> memref<128xi32, #tpu.memory_space<vmem>>
      %dma_start3A_313 = arith.constant 0 : i32
      %dma_start3A_314 = arith.constant 0 : i32
      %dma_start3A_315 = tpu.memref_slice %arg2[%dma_start3A_313, %dma_start3A_314] : memref<10000x128xf32, #tpu.memory_space<hbm>> -> memref<10000x128xf32, #tpu.memory_space<hbm>>
      tpu.enqueue_indirect_dma source(%dma_start3A_315 : memref<10000x128xf32, #tpu.memory_space<hbm>>) target(%arg10 : memref<128x128xf32, #tpu.memory_space<vmem>>) offsets(%dma_start3A_312 : memref<128xi32, #tpu.memory_space<vmem>>) semaphore(%arg16 : memref<!tpu.dma_semaphore, #tpu.memory_space<semaphore_mem>>)
      %dma_start3A_316 = arith.constant 6 : i32
      %dma_start3A_317 = arith.constant 0 : i32
      %dma_start3A_318 = tpu.memref_slice %arg9[%dma_start3A_316, %dma_start3A_317] : memref<8x128xi32, #tpu.memory_space<vmem>> -> memref<1x128xi32, #tpu.memory_space<vmem>>
      %dma_start3A_319 = tpu.memref_squeeze %dma_start3A_318 : memref<1x128xi32, #tpu.memory_space<vmem>> -> memref<128xi32, #tpu.memory_space<vmem>>
      %dma_start3A_320 = arith.constant 0 : i32
      %dma_start3A_321 = arith.constant 0 : i32
      %dma_start3A_322 = tpu.memref_slice %arg3[%dma_start3A_320, %dma_start3A_321] : memref<10224x16xf32, #tpu.memory_space<hbm>> -> memref<10224x16xf32, #tpu.memory_space<hbm>>
      tpu.enqueue_indirect_dma source(%dma_start3A_322 : memref<10224x16xf32, #tpu.memory_space<hbm>>) target(%arg12 : memref<128x16xf32, #tpu.memory_space<vmem>>) offsets(%dma_start3A_319 : memref<128xi32, #tpu.memory_space<vmem>>) semaphore(%arg16 : memref<!tpu.dma_semaphore, #tpu.memory_space<semaphore_mem>>)
      %dma_wait3A_323 = arith.constant 5 : i32
      %dma_wait3A_324 = arith.constant 0 : i32
      %dma_wait3A_325 = tpu.memref_slice %arg9[%dma_wait3A_323, %dma_wait3A_324] : memref<8x128xi32, #tpu.memory_space<vmem>> -> memref<1x128xi32, #tpu.memory_space<vmem>>
      %dma_wait3A_326 = tpu.memref_squeeze %dma_wait3A_325 : memref<1x128xi32, #tpu.memory_space<vmem>> -> memref<128xi32, #tpu.memory_space<vmem>>
      %dma_wait3A_327 = arith.constant 0 : i32
      %dma_wait3A_328 = arith.constant 0 : i32
      %dma_wait3A_329 = tpu.memref_slice %arg2[%dma_wait3A_327, %dma_wait3A_328] : memref<10000x128xf32, #tpu.memory_space<hbm>> -> memref<10000x128xf32, #tpu.memory_space<hbm>>
      tpu.wait_indirect_dma semaphore(%arg17 : memref<!tpu.dma_semaphore, #tpu.memory_space<semaphore_mem>>) src(%dma_wait3A_329 : memref<10000x128xf32, #tpu.memory_space<hbm>>) dst(%arg11 : memref<128x128xf32, #tpu.memory_space<vmem>>)
      %dma_wait3A_330 = arith.constant 5 : i32
      %dma_wait3A_331 = arith.constant 0 : i32
      %dma_wait3A_332 = tpu.memref_slice %arg9[%dma_wait3A_330, %dma_wait3A_331] : memref<8x128xi32, #tpu.memory_space<vmem>> -> memref<1x128xi32, #tpu.memory_space<vmem>>
      %dma_wait3A_333 = tpu.memref_squeeze %dma_wait3A_332 : memref<1x128xi32, #tpu.memory_space<vmem>> -> memref<128xi32, #tpu.memory_space<vmem>>
      %dma_wait3A_334 = arith.constant 0 : i32
      %dma_wait3A_335 = arith.constant 0 : i32
      %dma_wait3A_336 = tpu.memref_slice %arg3[%dma_wait3A_334, %dma_wait3A_335] : memref<10224x16xf32, #tpu.memory_space<hbm>> -> memref<10224x16xf32, #tpu.memory_space<hbm>>
      tpu.wait_indirect_dma semaphore(%arg17 : memref<!tpu.dma_semaphore, #tpu.memory_space<semaphore_mem>>) src(%dma_wait3A_336 : memref<10224x16xf32, #tpu.memory_space<hbm>>) dst(%arg13 : memref<128x16xf32, #tpu.memory_space<vmem>>)
      %dma_start3A_337 = arith.constant 5 : i32
      %dma_start3A_338 = arith.constant 0 : i32
      %dma_start3A_339 = tpu.memref_slice %arg8[%dma_start3A_337, %dma_start3A_338] : memref<8x128xi32, #tpu.memory_space<vmem>> -> memref<1x128xi32, #tpu.memory_space<vmem>>
      %dma_start3A_340 = tpu.memref_squeeze %dma_start3A_339 : memref<1x128xi32, #tpu.memory_space<vmem>> -> memref<128xi32, #tpu.memory_space<vmem>>
      %dma_start3A_341 = arith.constant 0 : i32
      %dma_start3A_342 = arith.constant 0 : i32
      %dma_start3A_343 = tpu.memref_slice %arg14[%dma_start3A_341, %dma_start3A_342] : memref<10224x128xf32, #tpu.memory_space<vmem_shared>> -> memref<10224x128xf32, #tpu.memory_space<vmem_shared>>
      tpu.enqueue_indirect_dma source(%arg11 : memref<128x128xf32, #tpu.memory_space<vmem>>) target(%dma_start3A_343 : memref<10224x128xf32, #tpu.memory_space<vmem_shared>>) offsets(%dma_start3A_340 : memref<128xi32, #tpu.memory_space<vmem>>) semaphore(%arg19 : memref<!tpu.dma_semaphore, #tpu.memory_space<semaphore_mem>>) {add = true}
      %dma_start3A_344 = arith.constant 5 : i32
      %dma_start3A_345 = arith.constant 0 : i32
      %dma_start3A_346 = tpu.memref_slice %arg8[%dma_start3A_344, %dma_start3A_345] : memref<8x128xi32, #tpu.memory_space<vmem>> -> memref<1x128xi32, #tpu.memory_space<vmem>>
      %dma_start3A_347 = tpu.memref_squeeze %dma_start3A_346 : memref<1x128xi32, #tpu.memory_space<vmem>> -> memref<128xi32, #tpu.memory_space<vmem>>
      %dma_start3A_348 = arith.constant 0 : i32
      %dma_start3A_349 = arith.constant 0 : i32
      %dma_start3A_350 = tpu.memref_slice %arg15[%dma_start3A_348, %dma_start3A_349] : memref<10224x16xf32, #tpu.memory_space<vmem_shared>> -> memref<10224x16xf32, #tpu.memory_space<vmem_shared>>
      tpu.enqueue_indirect_dma source(%arg13 : memref<128x16xf32, #tpu.memory_space<vmem>>) target(%dma_start3A_350 : memref<10224x16xf32, #tpu.memory_space<vmem_shared>>) offsets(%dma_start3A_347 : memref<128xi32, #tpu.memory_space<vmem>>) semaphore(%arg19 : memref<!tpu.dma_semaphore, #tpu.memory_space<semaphore_mem>>) {add = true}
      %dma_wait3A_351 = arith.constant 5 : i32
      %dma_wait3A_352 = arith.constant 0 : i32
      %dma_wait3A_353 = tpu.memref_slice %arg8[%dma_wait3A_351, %dma_wait3A_352] : memref<8x128xi32, #tpu.memory_space<vmem>> -> memref<1x128xi32, #tpu.memory_space<vmem>>
      %dma_wait3A_354 = tpu.memref_squeeze %dma_wait3A_353 : memref<1x128xi32, #tpu.memory_space<vmem>> -> memref<128xi32, #tpu.memory_space<vmem>>
      %dma_wait3A_355 = arith.constant 0 : i32
      %dma_wait3A_356 = arith.constant 0 : i32
      %dma_wait3A_357 = tpu.memref_slice %arg14[%dma_wait3A_355, %dma_wait3A_356] : memref<10224x128xf32, #tpu.memory_space<vmem_shared>> -> memref<10224x128xf32, #tpu.memory_space<vmem_shared>>
      tpu.wait_indirect_dma semaphore(%arg19 : memref<!tpu.dma_semaphore, #tpu.memory_space<semaphore_mem>>) src(%arg11 : memref<128x128xf32, #tpu.memory_space<vmem>>) dst(%dma_wait3A_357 : memref<10224x128xf32, #tpu.memory_space<vmem_shared>>)
      %dma_wait3A_358 = arith.constant 5 : i32
      %dma_wait3A_359 = arith.constant 0 : i32
      %dma_wait3A_360 = tpu.memref_slice %arg8[%dma_wait3A_358, %dma_wait3A_359] : memref<8x128xi32, #tpu.memory_space<vmem>> -> memref<1x128xi32, #tpu.memory_space<vmem>>
      %dma_wait3A_361 = tpu.memref_squeeze %dma_wait3A_360 : memref<1x128xi32, #tpu.memory_space<vmem>> -> memref<128xi32, #tpu.memory_space<vmem>>
      %dma_wait3A_362 = arith.constant 0 : i32
      %dma_wait3A_363 = arith.constant 0 : i32
      %dma_wait3A_364 = tpu.memref_slice %arg15[%dma_wait3A_362, %dma_wait3A_363] : memref<10224x16xf32, #tpu.memory_space<vmem_shared>> -> memref<10224x16xf32, #tpu.memory_space<vmem_shared>>
      tpu.wait_indirect_dma semaphore(%arg19 : memref<!tpu.dma_semaphore, #tpu.memory_space<semaphore_mem>>) src(%arg13 : memref<128x16xf32, #tpu.memory_space<vmem>>) dst(%dma_wait3A_364 : memref<10224x16xf32, #tpu.memory_space<vmem_shared>>)
      %dma_start3A_365 = arith.constant 7 : i32
      %dma_start3A_366 = arith.constant 0 : i32
      %dma_start3A_367 = tpu.memref_slice %arg9[%dma_start3A_365, %dma_start3A_366] : memref<8x128xi32, #tpu.memory_space<vmem>> -> memref<1x128xi32, #tpu.memory_space<vmem>>
      %dma_start3A_368 = tpu.memref_squeeze %dma_start3A_367 : memref<1x128xi32, #tpu.memory_space<vmem>> -> memref<128xi32, #tpu.memory_space<vmem>>
      %dma_start3A_369 = arith.constant 0 : i32
      %dma_start3A_370 = arith.constant 0 : i32
      %dma_start3A_371 = tpu.memref_slice %arg2[%dma_start3A_369, %dma_start3A_370] : memref<10000x128xf32, #tpu.memory_space<hbm>> -> memref<10000x128xf32, #tpu.memory_space<hbm>>
      tpu.enqueue_indirect_dma source(%dma_start3A_371 : memref<10000x128xf32, #tpu.memory_space<hbm>>) target(%arg11 : memref<128x128xf32, #tpu.memory_space<vmem>>) offsets(%dma_start3A_368 : memref<128xi32, #tpu.memory_space<vmem>>) semaphore(%arg17 : memref<!tpu.dma_semaphore, #tpu.memory_space<semaphore_mem>>)
      %dma_start3A_372 = arith.constant 7 : i32
      %dma_start3A_373 = arith.constant 0 : i32
      %dma_start3A_374 = tpu.memref_slice %arg9[%dma_start3A_372, %dma_start3A_373] : memref<8x128xi32, #tpu.memory_space<vmem>> -> memref<1x128xi32, #tpu.memory_space<vmem>>
      %dma_start3A_375 = tpu.memref_squeeze %dma_start3A_374 : memref<1x128xi32, #tpu.memory_space<vmem>> -> memref<128xi32, #tpu.memory_space<vmem>>
      %dma_start3A_376 = arith.constant 0 : i32
      %dma_start3A_377 = arith.constant 0 : i32
      %dma_start3A_378 = tpu.memref_slice %arg3[%dma_start3A_376, %dma_start3A_377] : memref<10224x16xf32, #tpu.memory_space<hbm>> -> memref<10224x16xf32, #tpu.memory_space<hbm>>
      tpu.enqueue_indirect_dma source(%dma_start3A_378 : memref<10224x16xf32, #tpu.memory_space<hbm>>) target(%arg13 : memref<128x16xf32, #tpu.memory_space<vmem>>) offsets(%dma_start3A_375 : memref<128xi32, #tpu.memory_space<vmem>>) semaphore(%arg17 : memref<!tpu.dma_semaphore, #tpu.memory_space<semaphore_mem>>)
      %dma_wait3A_379 = arith.constant 6 : i32
      %dma_wait3A_380 = arith.constant 0 : i32
      %dma_wait3A_381 = tpu.memref_slice %arg9[%dma_wait3A_379, %dma_wait3A_380] : memref<8x128xi32, #tpu.memory_space<vmem>> -> memref<1x128xi32, #tpu.memory_space<vmem>>
      %dma_wait3A_382 = tpu.memref_squeeze %dma_wait3A_381 : memref<1x128xi32, #tpu.memory_space<vmem>> -> memref<128xi32, #tpu.memory_space<vmem>>
      %dma_wait3A_383 = arith.constant 0 : i32
      %dma_wait3A_384 = arith.constant 0 : i32
      %dma_wait3A_385 = tpu.memref_slice %arg2[%dma_wait3A_383, %dma_wait3A_384] : memref<10000x128xf32, #tpu.memory_space<hbm>> -> memref<10000x128xf32, #tpu.memory_space<hbm>>
      tpu.wait_indirect_dma semaphore(%arg16 : memref<!tpu.dma_semaphore, #tpu.memory_space<semaphore_mem>>) src(%dma_wait3A_385 : memref<10000x128xf32, #tpu.memory_space<hbm>>) dst(%arg10 : memref<128x128xf32, #tpu.memory_space<vmem>>)
      %dma_wait3A_386 = arith.constant 6 : i32
      %dma_wait3A_387 = arith.constant 0 : i32
      %dma_wait3A_388 = tpu.memref_slice %arg9[%dma_wait3A_386, %dma_wait3A_387] : memref<8x128xi32, #tpu.memory_space<vmem>> -> memref<1x128xi32, #tpu.memory_space<vmem>>
      %dma_wait3A_389 = tpu.memref_squeeze %dma_wait3A_388 : memref<1x128xi32, #tpu.memory_space<vmem>> -> memref<128xi32, #tpu.memory_space<vmem>>
      %dma_wait3A_390 = arith.constant 0 : i32
      %dma_wait3A_391 = arith.constant 0 : i32
      %dma_wait3A_392 = tpu.memref_slice %arg3[%dma_wait3A_390, %dma_wait3A_391] : memref<10224x16xf32, #tpu.memory_space<hbm>> -> memref<10224x16xf32, #tpu.memory_space<hbm>>
      tpu.wait_indirect_dma semaphore(%arg16 : memref<!tpu.dma_semaphore, #tpu.memory_space<semaphore_mem>>) src(%dma_wait3A_392 : memref<10224x16xf32, #tpu.memory_space<hbm>>) dst(%arg12 : memref<128x16xf32, #tpu.memory_space<vmem>>)
      %dma_start3A_393 = arith.constant 6 : i32
      %dma_start3A_394 = arith.constant 0 : i32
      %dma_start3A_395 = tpu.memref_slice %arg8[%dma_start3A_393, %dma_start3A_394] : memref<8x128xi32, #tpu.memory_space<vmem>> -> memref<1x128xi32, #tpu.memory_space<vmem>>
      %dma_start3A_396 = tpu.memref_squeeze %dma_start3A_395 : memref<1x128xi32, #tpu.memory_space<vmem>> -> memref<128xi32, #tpu.memory_space<vmem>>
      %dma_start3A_397 = arith.constant 0 : i32
      %dma_start3A_398 = arith.constant 0 : i32
      %dma_start3A_399 = tpu.memref_slice %arg14[%dma_start3A_397, %dma_start3A_398] : memref<10224x128xf32, #tpu.memory_space<vmem_shared>> -> memref<10224x128xf32, #tpu.memory_space<vmem_shared>>
      tpu.enqueue_indirect_dma source(%arg10 : memref<128x128xf32, #tpu.memory_space<vmem>>) target(%dma_start3A_399 : memref<10224x128xf32, #tpu.memory_space<vmem_shared>>) offsets(%dma_start3A_396 : memref<128xi32, #tpu.memory_space<vmem>>) semaphore(%arg18 : memref<!tpu.dma_semaphore, #tpu.memory_space<semaphore_mem>>) {add = true}
      %dma_start3A_400 = arith.constant 6 : i32
      %dma_start3A_401 = arith.constant 0 : i32
      %dma_start3A_402 = tpu.memref_slice %arg8[%dma_start3A_400, %dma_start3A_401] : memref<8x128xi32, #tpu.memory_space<vmem>> -> memref<1x128xi32, #tpu.memory_space<vmem>>
      %dma_start3A_403 = tpu.memref_squeeze %dma_start3A_402 : memref<1x128xi32, #tpu.memory_space<vmem>> -> memref<128xi32, #tpu.memory_space<vmem>>
      %dma_start3A_404 = arith.constant 0 : i32
      %dma_start3A_405 = arith.constant 0 : i32
      %dma_start3A_406 = tpu.memref_slice %arg15[%dma_start3A_404, %dma_start3A_405] : memref<10224x16xf32, #tpu.memory_space<vmem_shared>> -> memref<10224x16xf32, #tpu.memory_space<vmem_shared>>
      tpu.enqueue_indirect_dma source(%arg12 : memref<128x16xf32, #tpu.memory_space<vmem>>) target(%dma_start3A_406 : memref<10224x16xf32, #tpu.memory_space<vmem_shared>>) offsets(%dma_start3A_403 : memref<128xi32, #tpu.memory_space<vmem>>) semaphore(%arg18 : memref<!tpu.dma_semaphore, #tpu.memory_space<semaphore_mem>>) {add = true}
      %dma_wait3A_407 = arith.constant 7 : i32
      %dma_wait3A_408 = arith.constant 0 : i32
      %dma_wait3A_409 = tpu.memref_slice %arg9[%dma_wait3A_407, %dma_wait3A_408] : memref<8x128xi32, #tpu.memory_space<vmem>> -> memref<1x128xi32, #tpu.memory_space<vmem>>
      %dma_wait3A_410 = tpu.memref_squeeze %dma_wait3A_409 : memref<1x128xi32, #tpu.memory_space<vmem>> -> memref<128xi32, #tpu.memory_space<vmem>>
      %dma_wait3A_411 = arith.constant 0 : i32
      %dma_wait3A_412 = arith.constant 0 : i32
      %dma_wait3A_413 = tpu.memref_slice %arg2[%dma_wait3A_411, %dma_wait3A_412] : memref<10000x128xf32, #tpu.memory_space<hbm>> -> memref<10000x128xf32, #tpu.memory_space<hbm>>
      tpu.wait_indirect_dma semaphore(%arg17 : memref<!tpu.dma_semaphore, #tpu.memory_space<semaphore_mem>>) src(%dma_wait3A_413 : memref<10000x128xf32, #tpu.memory_space<hbm>>) dst(%arg11 : memref<128x128xf32, #tpu.memory_space<vmem>>)
      %dma_wait3A_414 = arith.constant 7 : i32
      %dma_wait3A_415 = arith.constant 0 : i32
      %dma_wait3A_416 = tpu.memref_slice %arg9[%dma_wait3A_414, %dma_wait3A_415] : memref<8x128xi32, #tpu.memory_space<vmem>> -> memref<1x128xi32, #tpu.memory_space<vmem>>
      %dma_wait3A_417 = tpu.memref_squeeze %dma_wait3A_416 : memref<1x128xi32, #tpu.memory_space<vmem>> -> memref<128xi32, #tpu.memory_space<vmem>>
      %dma_wait3A_418 = arith.constant 0 : i32
      %dma_wait3A_419 = arith.constant 0 : i32
      %dma_wait3A_420 = tpu.memref_slice %arg3[%dma_wait3A_418, %dma_wait3A_419] : memref<10224x16xf32, #tpu.memory_space<hbm>> -> memref<10224x16xf32, #tpu.memory_space<hbm>>
      tpu.wait_indirect_dma semaphore(%arg17 : memref<!tpu.dma_semaphore, #tpu.memory_space<semaphore_mem>>) src(%dma_wait3A_420 : memref<10224x16xf32, #tpu.memory_space<hbm>>) dst(%arg13 : memref<128x16xf32, #tpu.memory_space<vmem>>)
      %dma_start3A_421 = arith.constant 7 : i32
      %dma_start3A_422 = arith.constant 0 : i32
      %dma_start3A_423 = tpu.memref_slice %arg8[%dma_start3A_421, %dma_start3A_422] : memref<8x128xi32, #tpu.memory_space<vmem>> -> memref<1x128xi32, #tpu.memory_space<vmem>>
      %dma_start3A_424 = tpu.memref_squeeze %dma_start3A_423 : memref<1x128xi32, #tpu.memory_space<vmem>> -> memref<128xi32, #tpu.memory_space<vmem>>
      %dma_start3A_425 = arith.constant 0 : i32
      %dma_start3A_426 = arith.constant 0 : i32
      %dma_start3A_427 = tpu.memref_slice %arg14[%dma_start3A_425, %dma_start3A_426] : memref<10224x128xf32, #tpu.memory_space<vmem_shared>> -> memref<10224x128xf32, #tpu.memory_space<vmem_shared>>
      tpu.enqueue_indirect_dma source(%arg11 : memref<128x128xf32, #tpu.memory_space<vmem>>) target(%dma_start3A_427 : memref<10224x128xf32, #tpu.memory_space<vmem_shared>>) offsets(%dma_start3A_424 : memref<128xi32, #tpu.memory_space<vmem>>) semaphore(%arg19 : memref<!tpu.dma_semaphore, #tpu.memory_space<semaphore_mem>>) {add = true}
      %dma_start3A_428 = arith.constant 7 : i32
      %dma_start3A_429 = arith.constant 0 : i32
      %dma_start3A_430 = tpu.memref_slice %arg8[%dma_start3A_428, %dma_start3A_429] : memref<8x128xi32, #tpu.memory_space<vmem>> -> memref<1x128xi32, #tpu.memory_space<vmem>>
      %dma_start3A_431 = tpu.memref_squeeze %dma_start3A_430 : memref<1x128xi32, #tpu.memory_space<vmem>> -> memref<128xi32, #tpu.memory_space<vmem>>
      %dma_start3A_432 = arith.constant 0 : i32
      %dma_start3A_433 = arith.constant 0 : i32
      %dma_start3A_434 = tpu.memref_slice %arg15[%dma_start3A_432, %dma_start3A_433] : memref<10224x16xf32, #tpu.memory_space<vmem_shared>> -> memref<10224x16xf32, #tpu.memory_space<vmem_shared>>
      tpu.enqueue_indirect_dma source(%arg13 : memref<128x16xf32, #tpu.memory_space<vmem>>) target(%dma_start3A_434 : memref<10224x16xf32, #tpu.memory_space<vmem_shared>>) offsets(%dma_start3A_431 : memref<128xi32, #tpu.memory_space<vmem>>) semaphore(%arg19 : memref<!tpu.dma_semaphore, #tpu.memory_space<semaphore_mem>>) {add = true}
      %dma_wait3A_435 = arith.constant 6 : i32
      %dma_wait3A_436 = arith.constant 0 : i32
      %dma_wait3A_437 = tpu.memref_slice %arg8[%dma_wait3A_435, %dma_wait3A_436] : memref<8x128xi32, #tpu.memory_space<vmem>> -> memref<1x128xi32, #tpu.memory_space<vmem>>
      %dma_wait3A_438 = tpu.memref_squeeze %dma_wait3A_437 : memref<1x128xi32, #tpu.memory_space<vmem>> -> memref<128xi32, #tpu.memory_space<vmem>>
      %dma_wait3A_439 = arith.constant 0 : i32
      %dma_wait3A_440 = arith.constant 0 : i32
      %dma_wait3A_441 = tpu.memref_slice %arg14[%dma_wait3A_439, %dma_wait3A_440] : memref<10224x128xf32, #tpu.memory_space<vmem_shared>> -> memref<10224x128xf32, #tpu.memory_space<vmem_shared>>
      tpu.wait_indirect_dma semaphore(%arg18 : memref<!tpu.dma_semaphore, #tpu.memory_space<semaphore_mem>>) src(%arg10 : memref<128x128xf32, #tpu.memory_space<vmem>>) dst(%dma_wait3A_441 : memref<10224x128xf32, #tpu.memory_space<vmem_shared>>)
      %dma_wait3A_442 = arith.constant 6 : i32
      %dma_wait3A_443 = arith.constant 0 : i32
      %dma_wait3A_444 = tpu.memref_slice %arg8[%dma_wait3A_442, %dma_wait3A_443] : memref<8x128xi32, #tpu.memory_space<vmem>> -> memref<1x128xi32, #tpu.memory_space<vmem>>
      %dma_wait3A_445 = tpu.memref_squeeze %dma_wait3A_444 : memref<1x128xi32, #tpu.memory_space<vmem>> -> memref<128xi32, #tpu.memory_space<vmem>>
      %dma_wait3A_446 = arith.constant 0 : i32
      %dma_wait3A_447 = arith.constant 0 : i32
      %dma_wait3A_448 = tpu.memref_slice %arg15[%dma_wait3A_446, %dma_wait3A_447] : memref<10224x16xf32, #tpu.memory_space<vmem_shared>> -> memref<10224x16xf32, #tpu.memory_space<vmem_shared>>
      tpu.wait_indirect_dma semaphore(%arg18 : memref<!tpu.dma_semaphore, #tpu.memory_space<semaphore_mem>>) src(%arg12 : memref<128x16xf32, #tpu.memory_space<vmem>>) dst(%dma_wait3A_448 : memref<10224x16xf32, #tpu.memory_space<vmem_shared>>)
      %dma_wait3A_449 = arith.constant 7 : i32
      %dma_wait3A_450 = arith.constant 0 : i32
      %dma_wait3A_451 = tpu.memref_slice %arg8[%dma_wait3A_449, %dma_wait3A_450] : memref<8x128xi32, #tpu.memory_space<vmem>> -> memref<1x128xi32, #tpu.memory_space<vmem>>
      %dma_wait3A_452 = tpu.memref_squeeze %dma_wait3A_451 : memref<1x128xi32, #tpu.memory_space<vmem>> -> memref<128xi32, #tpu.memory_space<vmem>>
      %dma_wait3A_453 = arith.constant 0 : i32
      %dma_wait3A_454 = arith.constant 0 : i32
      %dma_wait3A_455 = tpu.memref_slice %arg14[%dma_wait3A_453, %dma_wait3A_454] : memref<10224x128xf32, #tpu.memory_space<vmem_shared>> -> memref<10224x128xf32, #tpu.memory_space<vmem_shared>>
      tpu.wait_indirect_dma semaphore(%arg19 : memref<!tpu.dma_semaphore, #tpu.memory_space<semaphore_mem>>) src(%arg11 : memref<128x128xf32, #tpu.memory_space<vmem>>) dst(%dma_wait3A_455 : memref<10224x128xf32, #tpu.memory_space<vmem_shared>>)
      %dma_wait3A_456 = arith.constant 7 : i32
      %dma_wait3A_457 = arith.constant 0 : i32
      %dma_wait3A_458 = tpu.memref_slice %arg8[%dma_wait3A_456, %dma_wait3A_457] : memref<8x128xi32, #tpu.memory_space<vmem>> -> memref<1x128xi32, #tpu.memory_space<vmem>>
      %dma_wait3A_459 = tpu.memref_squeeze %dma_wait3A_458 : memref<1x128xi32, #tpu.memory_space<vmem>> -> memref<128xi32, #tpu.memory_space<vmem>>
      %dma_wait3A_460 = arith.constant 0 : i32
      %dma_wait3A_461 = arith.constant 0 : i32
      %dma_wait3A_462 = tpu.memref_slice %arg15[%dma_wait3A_460, %dma_wait3A_461] : memref<10224x16xf32, #tpu.memory_space<vmem_shared>> -> memref<10224x16xf32, #tpu.memory_space<vmem_shared>>
      tpu.wait_indirect_dma semaphore(%arg19 : memref<!tpu.dma_semaphore, #tpu.memory_space<semaphore_mem>>) src(%arg13 : memref<128x16xf32, #tpu.memory_space<vmem>>) dst(%dma_wait3A_462 : memref<10224x16xf32, #tpu.memory_space<vmem_shared>>)
      %scan3A_463 = arith.constant 0 : i32
      scf.yield %scan3A_463 : i32
    }
    %scan3A_10 = arith.constant 10 : i32
    %barrier3A_11 = arith.constant 0 : index
    tpu.barrier barrier_id(%barrier3A_11)
    %mul3A_12 = arith.constant 639 : i32
    %mul3A_13 = arith.muli %arg1, %mul3A_12 : i32
    "tpu.region"() ({
      %run_scoped3A = tpu.sem_alloc : memref<!tpu.dma_semaphore, #tpu.memory_space<semaphore_mem>>
      %dma_start3A = arith.constant 0 : i32
      %dma_start3A_14 = tpu.memref_slice %arg6[%arg0, %mul3A_13, %dma_start3A] : memref<2x10224x128xf32, #tpu.memory_space<hbm>> -> memref<1x639x128xf32, #tpu.memory_space<hbm>>
      %dma_start3A_15 = tpu.memref_squeeze %dma_start3A_14 : memref<1x639x128xf32, #tpu.memory_space<hbm>> -> memref<639x128xf32, #tpu.memory_space<hbm>>
      %dma_start3A_16 = arith.constant 0 : i32
      %dma_start3A_17 = tpu.memref_slice %arg14[%mul3A_13, %dma_start3A_16] : memref<10224x128xf32, #tpu.memory_space<vmem_shared>> -> memref<639x128xf32, #tpu.memory_space<vmem_shared>>
      tpu.enqueue_dma source(%dma_start3A_17 : memref<639x128xf32, #tpu.memory_space<vmem_shared>>) target(%dma_start3A_15 : memref<639x128xf32, #tpu.memory_space<hbm>>) target_semaphore(%run_scoped3A : memref<!tpu.dma_semaphore, #tpu.memory_space<semaphore_mem>>)
      %dma_wait3A = arith.constant 0 : i32
      %dma_wait3A_18 = tpu.memref_slice %arg6[%arg0, %mul3A_13, %dma_wait3A] : memref<2x10224x128xf32, #tpu.memory_space<hbm>> -> memref<1x639x128xf32, #tpu.memory_space<hbm>>
      %dma_wait3A_19 = tpu.memref_squeeze %dma_wait3A_18 : memref<1x639x128xf32, #tpu.memory_space<hbm>> -> memref<639x128xf32, #tpu.memory_space<hbm>>
      %dma_wait3A_20 = arith.constant 0 : i32
      %dma_wait3A_21 = tpu.memref_slice %arg14[%mul3A_13, %dma_wait3A_20] : memref<10224x128xf32, #tpu.memory_space<vmem_shared>> -> memref<639x128xf32, #tpu.memory_space<vmem_shared>>
      tpu.wait_dma2 semaphore(%run_scoped3A : memref<!tpu.dma_semaphore, #tpu.memory_space<semaphore_mem>>) src(%dma_wait3A_21 : memref<639x128xf32, #tpu.memory_space<vmem_shared>>) dst(%dma_wait3A_19 : memref<639x128xf32, #tpu.memory_space<hbm>>)
      tpu.yield
    }) : () -> ()
    "tpu.region"() ({
      %run_scoped3A = tpu.sem_alloc : memref<!tpu.dma_semaphore, #tpu.memory_space<semaphore_mem>>
      %dma_start3A = arith.constant 0 : i32
      %dma_start3A_14 = tpu.memref_slice %arg7[%arg0, %mul3A_13, %dma_start3A] : memref<2x10224x128xf32, #tpu.memory_space<hbm>> -> memref<1x639x16xf32, #tpu.memory_space<hbm>>
      %dma_start3A_15 = tpu.memref_squeeze %dma_start3A_14 : memref<1x639x16xf32, #tpu.memory_space<hbm>> -> memref<639x16xf32, #tpu.memory_space<hbm>>
      %dma_start3A_16 = arith.constant 0 : i32
      %dma_start3A_17 = tpu.memref_slice %arg15[%mul3A_13, %dma_start3A_16] : memref<10224x16xf32, #tpu.memory_space<vmem_shared>> -> memref<639x16xf32, #tpu.memory_space<vmem_shared>>
      tpu.enqueue_dma source(%dma_start3A_17 : memref<639x16xf32, #tpu.memory_space<vmem_shared>>) target(%dma_start3A_15 : memref<639x16xf32, #tpu.memory_space<hbm>>) target_semaphore(%run_scoped3A : memref<!tpu.dma_semaphore, #tpu.memory_space<semaphore_mem>>)
      %dma_wait3A = arith.constant 0 : i32
      %dma_wait3A_18 = tpu.memref_slice %arg7[%arg0, %mul3A_13, %dma_wait3A] : memref<2x10224x128xf32, #tpu.memory_space<hbm>> -> memref<1x639x16xf32, #tpu.memory_space<hbm>>
      %dma_wait3A_19 = tpu.memref_squeeze %dma_wait3A_18 : memref<1x639x16xf32, #tpu.memory_space<hbm>> -> memref<639x16xf32, #tpu.memory_space<hbm>>
      %dma_wait3A_20 = arith.constant 0 : i32
      %dma_wait3A_21 = tpu.memref_slice %arg15[%mul3A_13, %dma_wait3A_20] : memref<10224x16xf32, #tpu.memory_space<vmem_shared>> -> memref<639x16xf32, #tpu.memory_space<vmem_shared>>
      tpu.wait_dma2 semaphore(%run_scoped3A : memref<!tpu.dma_semaphore, #tpu.memory_space<semaphore_mem>>) src(%dma_wait3A_21 : memref<639x16xf32, #tpu.memory_space<vmem_shared>>) dst(%dma_wait3A_19 : memref<639x16xf32, #tpu.memory_space<hbm>>)
      tpu.yield
    }) : () -> ()
    return
  }
}

module attributes {stable_mosaic.version = 14 : i64} {
  func.func @_dense_body(%arg0: i32, %arg1: memref<1000x128xf32, #tpu.memory_space<vmem>>, %arg2: memref<1000x2xf32, #tpu.memory_space<vmem>>, %arg3: memref<2x1000x128xf32, #tpu.memory_space<vmem>>, %arg4: memref<2x1000x128xf32, #tpu.memory_space<vmem>>, %arg5: memref<128x128xf32, #tpu.memory_space<vmem>>, %arg6: memref<128x128xf32, #tpu.memory_space<vmem>>, %arg7: memref<8x128xf32, #tpu.memory_space<vmem>>, %arg8: memref<1x128xf32, #tpu.memory_space<vmem>>, %arg9: memref<128x128xf32, #tpu.memory_space<vmem>>, %arg10: memref<128x128xf32, #tpu.memory_space<vmem>>, %arg11: memref<1x128xf32, #tpu.memory_space<vmem>>, %arg12: memref<1000x128xf32, #tpu.memory_space<vmem>>) attributes {dimension_semantics = [#tpu.dimension_semantics<arbitrary>], iteration_bounds = array<i64: 10>, scalar_prefetch = 0 : i64, scratch_operands = 0 : i64, tpu.core_type = #tpu.core_type<tc>, window_params = [{transform_indices = @transform_0, window_bounds = array<i64: 1000, 128>}, {transform_indices = @transform_1, window_bounds = array<i64: 1000, 2>}, {transform_indices = @transform_2, window_bounds = array<i64: 2, 1000, 128>}, {transform_indices = @transform_3, window_bounds = array<i64: 2, 1000, 128>}, {pipeline_mode = #tpu.pipeline_mode<synchronous>, transform_indices = @transform_4, window_bounds = array<i64: 128, 128>}, {pipeline_mode = #tpu.pipeline_mode<synchronous>, transform_indices = @transform_5, window_bounds = array<i64: 128, 128>}, {pipeline_mode = #tpu.pipeline_mode<synchronous>, transform_indices = @transform_6, window_bounds = array<i64: 8, 128>}, {pipeline_mode = #tpu.pipeline_mode<synchronous>, transform_indices = @transform_7, window_bounds = array<i64: 1, 128>}, {pipeline_mode = #tpu.pipeline_mode<synchronous>, transform_indices = @transform_8, window_bounds = array<i64: 128, 128>}, {pipeline_mode = #tpu.pipeline_mode<synchronous>, transform_indices = @transform_9, window_bounds = array<i64: 128, 128>}, {pipeline_mode = #tpu.pipeline_mode<synchronous>, transform_indices = @transform_10, window_bounds = array<i64: 1, 128>}, {transform_indices = @transform_11, window_bounds = array<i64: 1000, 128>}]} {
    %get3A = arith.constant 0 : index
    %get3A_0 = arith.constant 0 : index
    %get3A_1 = vector.load %arg1[%get3A, %get3A_0] : memref<1000x128xf32, #tpu.memory_space<vmem>>, vector<1000x128xf32>
    %get3A_2 = arith.constant 0 : index
    %get3A_3 = arith.constant 0 : index
    %get3A_4 = arith.constant 0 : index
    %get3A_5 = vector.load %arg3[%get3A_2, %get3A_3, %get3A_4] : memref<2x1000x128xf32, #tpu.memory_space<vmem>>, vector<1x1000x128xf32>
    %get3A_6 = vector.shape_cast %get3A_5 : vector<1x1000x128xf32> to vector<1000x128xf32>
    %get3A_7 = arith.constant 1 : index
    %get3A_8 = arith.constant 0 : index
    %get3A_9 = arith.constant 0 : index
    %get3A_10 = vector.load %arg3[%get3A_7, %get3A_8, %get3A_9] : memref<2x1000x128xf32, #tpu.memory_space<vmem>>, vector<1x1000x128xf32>
    %get3A_11 = vector.shape_cast %get3A_10 : vector<1x1000x128xf32> to vector<1000x128xf32>
    %add3A = arith.addf %get3A_6, %get3A_11 : vector<1000x128xf32>
    %get3A_12 = arith.constant 0 : index
    %get3A_13 = arith.constant 0 : index
    %get3A_14 = arith.constant 0 : index
    %get3A_15 = vector.load %arg4[%get3A_12, %get3A_13, %get3A_14] : memref<2x1000x128xf32, #tpu.memory_space<vmem>>, vector<1x1000x16xf32>
    %get3A_16 = vector.shape_cast %get3A_15 : vector<1x1000x16xf32> to vector<1000x16xf32>
    %get3A_17 = arith.constant 1 : index
    %get3A_18 = arith.constant 0 : index
    %get3A_19 = arith.constant 0 : index
    %get3A_20 = vector.load %arg4[%get3A_17, %get3A_18, %get3A_19] : memref<2x1000x128xf32, #tpu.memory_space<vmem>>, vector<1x1000x16xf32>
    %get3A_21 = vector.shape_cast %get3A_20 : vector<1x1000x16xf32> to vector<1000x16xf32>
    %add3A_22 = arith.addf %get3A_16, %get3A_21 : vector<1000x16xf32>
    %slice3A = vector.extract_strided_slice %add3A_22 {offsets = [0, 0], sizes = [1000, 2], strides = [1, 1]} : vector<1000x16xf32> to vector<1000x2xf32>
    %slice3A_23 = vector.extract_strided_slice %add3A_22 {offsets = [0, 2], sizes = [1000, 1], strides = [1, 1]} : vector<1000x16xf32> to vector<1000x1xf32>
    %get3A_24 = arith.constant 0 : index
    %get3A_25 = arith.constant 0 : index
    %get3A_26 = vector.load %arg2[%get3A_24, %get3A_25] : memref<1000x2xf32, #tpu.memory_space<vmem>>, vector<1000x2xf32>
    %mul3A = vector.broadcast %slice3A_23 : vector<1000x1xf32> to vector<1000x2xf32>
    %mul3A_27 = arith.mulf %mul3A, %get3A_26 : vector<1000x2xf32>
    %sub3A = arith.subf %slice3A, %mul3A_27 : vector<1000x2xf32>
    %get3A_28 = arith.constant 0 : index
    %get3A_29 = arith.constant 0 : index
    %get3A_30 = vector.load %arg7[%get3A_28, %get3A_29] : memref<8x128xf32, #tpu.memory_space<vmem>>, vector<8x128xf32>
    %slice3A_31 = vector.extract_strided_slice %sub3A {offsets = [0, 0], sizes = [1000, 1], strides = [1, 1]} : vector<1000x2xf32> to vector<1000x1xf32>
    %slice3A_32 = vector.extract_strided_slice %get3A_30 {offsets = [0, 0], sizes = [1, 128], strides = [1, 1]} : vector<8x128xf32> to vector<1x128xf32>
    %mul3A_33 = vector.broadcast %slice3A_31 : vector<1000x1xf32> to vector<1000x128xf32>
    %mul3A_34 = vector.broadcast %slice3A_32 : vector<1x128xf32> to vector<1000x128xf32>
    %mul3A_35 = arith.mulf %mul3A_33, %mul3A_34 : vector<1000x128xf32>
    %slice3A_36 = vector.extract_strided_slice %sub3A {offsets = [0, 1], sizes = [1000, 1], strides = [1, 1]} : vector<1000x2xf32> to vector<1000x1xf32>
    %slice3A_37 = vector.extract_strided_slice %get3A_30 {offsets = [1, 0], sizes = [1, 128], strides = [1, 1]} : vector<8x128xf32> to vector<1x128xf32>
    %mul3A_38 = vector.broadcast %slice3A_36 : vector<1000x1xf32> to vector<1000x128xf32>
    %mul3A_39 = vector.broadcast %slice3A_37 : vector<1x128xf32> to vector<1000x128xf32>
    %mul3A_40 = arith.mulf %mul3A_38, %mul3A_39 : vector<1000x128xf32>
    %add3A_41 = arith.addf %mul3A_35, %mul3A_40 : vector<1000x128xf32>
    %get3A_42 = arith.constant 0 : index
    %get3A_43 = arith.constant 0 : index
    %get3A_44 = vector.load %arg5[%get3A_42, %get3A_43] : memref<128x128xf32, #tpu.memory_space<vmem>>, vector<128x128xf32>
    %dot_general3A = arith.constant dense<0.000000e+00> : vector<1000x128xf32>
    %dot_general3A_45 = tpu.matmul %get3A_1, %get3A_44, %dot_general3A {dimension_numbers = #tpu.dot_dimension_numbers<[1], [0], [0], [1], [0, 0, 1, 1], [], []>, transpose_lhs_hint = false} : vector<1000x128xf32>, vector<128x128xf32>, vector<1000x128xf32> -> vector<1000x128xf32>
    %get3A_46 = arith.constant 0 : index
    %get3A_47 = arith.constant 0 : index
    %get3A_48 = vector.load %arg8[%get3A_46, %get3A_47] : memref<1x128xf32, #tpu.memory_space<vmem>>, vector<1x128xf32>
    %add3A_49 = vector.broadcast %get3A_48 : vector<1x128xf32> to vector<1000x128xf32>
    %add3A_50 = arith.addf %dot_general3A_45, %add3A_49 : vector<1000x128xf32>
    %mul3A_51 = vector.broadcast %slice3A_23 : vector<1000x1xf32> to vector<1000x128xf32>
    %mul3A_52 = arith.mulf %mul3A_51, %add3A_50 : vector<1000x128xf32>
    %add3A_53 = arith.addf %mul3A_52, %add3A_41 : vector<1000x128xf32>
    %get3A_54 = arith.constant 0 : index
    %get3A_55 = arith.constant 0 : index
    %get3A_56 = vector.load %arg6[%get3A_54, %get3A_55] : memref<128x128xf32, #tpu.memory_space<vmem>>, vector<128x128xf32>
    %dot_general3A_57 = arith.constant dense<0.000000e+00> : vector<1000x128xf32>
    %dot_general3A_58 = tpu.matmul %add3A, %get3A_56, %dot_general3A_57 {dimension_numbers = #tpu.dot_dimension_numbers<[1], [0], [0], [1], [0, 0, 1, 1], [], []>, transpose_lhs_hint = false} : vector<1000x128xf32>, vector<128x128xf32>, vector<1000x128xf32> -> vector<1000x128xf32>
    %add3A_59 = arith.addf %add3A_53, %dot_general3A_58 : vector<1000x128xf32>
    %max3A = arith.constant 1.000000e+00 : f32
    %max3A_60 = vector.broadcast %max3A : f32 to vector<1000x1xf32>
    %max3A_61 = arith.maximumf %slice3A_23, %max3A_60 : vector<1000x1xf32>
    %div3A = vector.broadcast %max3A_61 : vector<1000x1xf32> to vector<1000x128xf32>
    %div3A_62 = arith.divf %add3A_59, %div3A : vector<1000x128xf32>
    %get3A_63 = arith.constant 0 : index
    %get3A_64 = arith.constant 0 : index
    %get3A_65 = vector.load %arg9[%get3A_63, %get3A_64] : memref<128x128xf32, #tpu.memory_space<vmem>>, vector<128x128xf32>
    %dot_general3A_66 = arith.constant dense<0.000000e+00> : vector<1000x128xf32>
    %dot_general3A_67 = tpu.matmul %get3A_1, %get3A_65, %dot_general3A_66 {dimension_numbers = #tpu.dot_dimension_numbers<[1], [0], [0], [1], [0, 0, 1, 1], [], []>, transpose_lhs_hint = false} : vector<1000x128xf32>, vector<128x128xf32>, vector<1000x128xf32> -> vector<1000x128xf32>
    %get3A_68 = arith.constant 0 : index
    %get3A_69 = arith.constant 0 : index
    %get3A_70 = vector.load %arg10[%get3A_68, %get3A_69] : memref<128x128xf32, #tpu.memory_space<vmem>>, vector<128x128xf32>
    %dot_general3A_71 = arith.constant dense<0.000000e+00> : vector<1000x128xf32>
    %dot_general3A_72 = tpu.matmul %div3A_62, %get3A_70, %dot_general3A_71 {dimension_numbers = #tpu.dot_dimension_numbers<[1], [0], [0], [1], [0, 0, 1, 1], [], []>, transpose_lhs_hint = false} : vector<1000x128xf32>, vector<128x128xf32>, vector<1000x128xf32> -> vector<1000x128xf32>
    %add3A_73 = arith.addf %dot_general3A_67, %dot_general3A_72 : vector<1000x128xf32>
    %get3A_74 = arith.constant 0 : index
    %get3A_75 = arith.constant 0 : index
    %get3A_76 = vector.load %arg11[%get3A_74, %get3A_75] : memref<1x128xf32, #tpu.memory_space<vmem>>, vector<1x128xf32>
    %add3A_77 = vector.broadcast %get3A_76 : vector<1x128xf32> to vector<1000x128xf32>
    %add3A_78 = arith.addf %add3A_73, %add3A_77 : vector<1000x128xf32>
    %swap3A = arith.constant 0 : index
    %swap3A_79 = arith.constant 0 : index
    %swap3A_80 = vector.load %arg12[%swap3A, %swap3A_79] : memref<1000x128xf32, #tpu.memory_space<vmem>>, vector<1000x128xf32>
    tpu.vector_store %arg12[%swap3A, %swap3A_79], %add3A_78 {strides = array<i32>} : memref<1000x128xf32, #tpu.memory_space<vmem>>, vector<1000x128xf32>,
    return
  }
  func.func @transform_0(%arg0: i32) -> (i32, i32) {
    %c0_i32 = arith.constant 0 : i32
    %c0_i32_0 = arith.constant 0 : i32
    return %arg0, %c0_i32 : i32, i32
  }
  func.func @transform_1(%arg0: i32) -> (i32, i32) {
    %c0_i32 = arith.constant 0 : i32
    %c0_i32_0 = arith.constant 0 : i32
    return %arg0, %c0_i32 : i32, i32
  }
  func.func @transform_2(%arg0: i32) -> (i32, i32, i32) {
    %c0_i32 = arith.constant 0 : i32
    %c0_i32_0 = arith.constant 0 : i32
    %c0_i32_1 = arith.constant 0 : i32
    return %c0_i32, %arg0, %c0_i32_0 : i32, i32, i32
  }
  func.func @transform_3(%arg0: i32) -> (i32, i32, i32) {
    %c0_i32 = arith.constant 0 : i32
    %c0_i32_0 = arith.constant 0 : i32
    %c0_i32_1 = arith.constant 0 : i32
    return %c0_i32, %arg0, %c0_i32_0 : i32, i32, i32
  }
  func.func @transform_4(%arg0: i32) -> (i32, i32) {
    %c0_i32 = arith.constant 0 : i32
    %c0_i32_0 = arith.constant 0 : i32
    %c0_i32_1 = arith.constant 0 : i32
    return %c0_i32, %c0_i32_0 : i32, i32
  }
  func.func @transform_5(%arg0: i32) -> (i32, i32) {
    %c0_i32 = arith.constant 0 : i32
    %c0_i32_0 = arith.constant 0 : i32
    %c0_i32_1 = arith.constant 0 : i32
    return %c0_i32, %c0_i32_0 : i32, i32
  }
  func.func @transform_6(%arg0: i32) -> (i32, i32) {
    %c0_i32 = arith.constant 0 : i32
    %c0_i32_0 = arith.constant 0 : i32
    %c0_i32_1 = arith.constant 0 : i32
    return %c0_i32, %c0_i32_0 : i32, i32
  }
  func.func @transform_7(%arg0: i32) -> (i32, i32) {
    %c0_i32 = arith.constant 0 : i32
    %c0_i32_0 = arith.constant 0 : i32
    %c0_i32_1 = arith.constant 0 : i32
    return %c0_i32, %c0_i32_0 : i32, i32
  }
  func.func @transform_8(%arg0: i32) -> (i32, i32) {
    %c0_i32 = arith.constant 0 : i32
    %c0_i32_0 = arith.constant 0 : i32
    %c0_i32_1 = arith.constant 0 : i32
    return %c0_i32, %c0_i32_0 : i32, i32
  }
  func.func @transform_9(%arg0: i32) -> (i32, i32) {
    %c0_i32 = arith.constant 0 : i32
    %c0_i32_0 = arith.constant 0 : i32
    %c0_i32_1 = arith.constant 0 : i32
    return %c0_i32, %c0_i32_0 : i32, i32
  }
  func.func @transform_10(%arg0: i32) -> (i32, i32) {
    %c0_i32 = arith.constant 0 : i32
    %c0_i32_0 = arith.constant 0 : i32
    %c0_i32_1 = arith.constant 0 : i32
    return %c0_i32, %c0_i32_0 : i32, i32
  }
  func.func @transform_11(%arg0: i32) -> (i32, i32) {
    %c0_i32 = arith.constant 0 : i32
    %c0_i32_0 = arith.constant 0 : i32
    return %arg0, %c0_i32 : i32, i32
  }
}

</mosaic_0001>

<sc_bundles>
// kernel: kernel.4.cloned.1.call-start
scs
__scs_entry_jumppad:
0x0: {  	(pc) =	sbr.rel $0x88, $3  }
0x1: {  	(tag) =	ssettag $0x0;
	lr =	simm.s32 $0x1  }
0x2: {  	[smem:$0x3F9A] =	sst lr;
	_ =	strace $0xD0000000  }
0x3: {  	_ = 	snop  }
0x4: {  	_ = 	snop  }
0x5: {  	_ = 	snop  }
0x6: {  	_ = 	snop  }
0x7: {  	_ = 	snop  }
__scs_overlays_trampoline_lowered:
0x8: {  	[smem:$0x3FA9] =	sst s0  }
0x9: {  	[smem:$0x3FAA] =	sst s1  }
0xa: {  	[smem:$0x3FAB] =	sst s2  }
0xb: {  	[smem:$0x3FAC] =	sst s3  }
0xc: {  	[smem:$0x3FAD] =	sst s4  }
0xd: {  	[smem:$0x3FAE] =	sst s5  }
0xe: {  	[smem:$0x3FAF] =	sst s6  }
0xf: {  	[smem:$0x3FB0] =	sst s7  }
0x10: {  	[smem:$0x3FB1] =	sst s8  }
0x11: {  	[smem:$0x3FB2] =	sst s9;
	s0 =	simm.s32 @!p0 $0x0  }
0x12: {  	s1 =	sld [smem:$0x3F98];
	s0 =	simm.s32 @p0 $0x1  }
0x13: {  	[smem:$0x3FB3] =	sst s0;
	s0 =	simm.s32 @!p1 $0x0  }
0x14: {  	s2 =	sld [smem:$0x3F97];
	s0 =	simm.s32 @p1 $0x1  }
0x15: {  	[smem:$0x3FB4] =	sst s0;
	s0 =	simm.s32 @!p2 $0x0  }
0x16: {  	s3 =	sld [smem:$0x3FDB];
	s0 =	simm.s32 @p2 $0x1  }
0x17: {  	s4 =	simm.s32 $0x1BF5;
	[smem:$0x3FB6] =	sst s0  }
0x18: {  	s0 =	sld [smem:$0x3F99];
	_ =	swait.ge [sflag:s4], $0x0  }
0x19: {  	s7 =	sld [smem:$0x3F9A]  }
0x1a: {  	s8 =	sadd.s32 $0xFFFFE003, lr  }
0x1b: {  	s9 =	sadd.s32 $0xFFFFFEF7, lr;
	s5 =	simm.s32 $0xFFFFFFFF;
	p2 =	slt.u32 s8, $0xFFFFF086  }
0x1c: {  	p1 =	slt.u32 s9, $0xF7A;
	s5 =	simm.s32 @!p2 $0x0  }
0x1d: {  	s5 =	simm.s32 @p1 $0x1;
	p0 =	seq.s32 s7, s2  }
0x1e: {  	s7 =	smul.u32 @!p0 $0xF7A, s2;
	p2 =	seq.s32 @!p0 s5, $0x0  }
0x1f: {  	s9 =	smul.u32 $0xF7A, s1;
	s8 =	simm.s32 @!p0 $0x1BF5;
	p2 =	por !p2, p0  }
0x20: {  	[sflag:s8] =	ssyncset.s32 @!p0 $0xFFFFF086;
	s6 =	sadd.s32 @!p0 s3, s7;
	s7 =	simm.s32 @!p0 $0x108  }
0x21: {  	s3 =	sadd.s32 s3, s9;
	s6 =	sadd.s32 @!p0 $0x88, s6;
	s7 =	simm.s32 @p2 $0x1082  }
0x22: {  	[simem:s7], [sflag:s8] =	dma.local @!p0 [hbm:s6], $0xF7A  }
0x23: {  	s9 =	sor.u32 $0xD0000000, s2;
	s6 =	simm.s32 $0x108;
	_ =	swait.ge @!p0 [sflag:s8], $0x0  }
0x24: {  	s3 =	sadd.s32 $0x88, s3;
	s6 =	simm.s32 @!p1 $0x1082;
	[sflag:s4] =	ssyncset.s32 $0xFFFFF086  }
0x25: {  	[simem:s6], [sflag:s4] =	dma.local [hbm:s3], $0xF7A  }
0x26: {  	[smem:$0x3F9A] =	sst s1;
	(tag) =	ssettag s2;
	_ =	strace s9  }
0x27: {  	s1 =	sld [smem:$0x3FAA]  }
0x28: {  	s2 =	sld [smem:$0x3FAB]  }
0x29: {  	s4 =	sld [smem:$0x3FAD]  }
0x2a: {  	p0 =	seq.s32 s5, $0x0;
	s5 =	sld [smem:$0x3FAE]  }
0x2b: {  	s6 =	sld [smem:$0x3FAF]  }
0x2c: {  	s7 =	sld [smem:$0x3FB0]  }
0x2d: {  	s3 =	simm.s32 $0x108;
	s8 =	sld [smem:$0x3FB1]  }
0x2e: {  	s3 =	simm.s32 @!p0 $0x1082;
	s9 =	sld [smem:$0x3FB2]  }
0x2f: {  	lr =	sadd.s32 s0, s3;
	s0 =	sld [smem:$0x3FA9]  }
0x30: {  	s3 =	sld [smem:$0x3FAC]  }
0x31: {  	[smem:$0x3FB5] =	sst s10  }
0x32: {  	s10 =	sld [smem:$0x3FB3];
	_ =	sdelay $0x3  }
0x33: {  	p0 =	seq.s32 s10, $0x1;
	s10 =	sld [smem:$0x3FB5];
	_ =	sdelay $0x3  }
0x34: {  	[smem:$0x3FB5] =	sst s10  }
0x35: {  	s10 =	sld [smem:$0x3FB4];
	_ =	sdelay $0x3  }
0x36: {  	p1 =	seq.s32 s10, $0x1;
	s10 =	sld [smem:$0x3FB5];
	_ =	sdelay $0x3  }
0x37: {  	[smem:$0x3FB5] =	sst s10  }
0x38: {  	s10 =	sld [smem:$0x3FB6]  }
0x39: {  	_ = 	snop;
	(pc) =	sbr.ind lr, $3  }
0x3a: {  	_ = 	snop  }
0x3b: {  	_ = 	snop  }
0x3c: {  	p2 =	seq.s32 s10, $0x1;
	s10 =	sld [smem:$0x3FB5]  }
0x3d: {  	_ =	shalt  }
0x3e: {  	_ =	shalt  }
0x3f: {  	_ =	shalt  }
0x40: {  	_ =	shalt  }
0x41: {  	_ =	shalt  }
0x42: {  	_ =	shalt  }
0x43: {  	_ =	shalt  }
0x44: {  	_ =	shalt  }
0x45: {  	_ =	shalt  }
0x46: {  	_ =	shalt  }
0x47: {  	_ =	shalt  }
0x48: {  	_ =	shalt  }
0x49: {  	_ =	shalt  }
0x4a: {  	_ =	shalt  }
0x4b: {  	_ =	shalt  }
0x4c: {  	_ =	shalt  }
0x4d: {  	_ =	shalt  }
0x4e: {  	_ =	shalt  }
0x4f: {  	_ =	shalt  }
0x50: {  	_ =	shalt  }
0x51: {  	_ =	shalt  }
0x52: {  	_ =	shalt  }
0x53: {  	_ =	shalt  }
0x54: {  	_ =	shalt  }
0x55: {  	_ =	shalt  }
0x56: {  	_ =	shalt  }
0x57: {  	_ =	shalt  }
0x58: {  	_ =	shalt  }
0x59: {  	_ =	shalt  }
0x5a: {  	_ =	shalt  }
0x5b: {  	_ =	shalt  }
0x5c: {  	_ =	shalt  }
0x5d: {  	_ =	shalt  }
0x5e: {  	_ =	shalt  }
0x5f: {  	_ =	shalt  }
0x60: {  	_ =	shalt  }
0x61: {  	_ =	shalt  }
0x62: {  	_ =	shalt  }
0x63: {  	_ =	shalt  }
0x64: {  	_ =	shalt  }
0x65: {  	_ =	shalt  }
0x66: {  	_ =	shalt  }
0x67: {  	_ =	shalt  }
0x68: {  	_ =	shalt  }
0x69: {  	_ =	shalt  }
0x6a: {  	_ =	shalt  }
0x6b: {  	_ =	shalt  }
0x6c: {  	_ =	shalt  }
0x6d: {  	_ =	shalt  }
0x6e: {  	_ =	shalt  }
0x6f: {  	_ =	shalt  }
0x70: {  	_ =	shalt  }
0x71: {  	_ =	shalt  }
0x72: {  	_ =	shalt  }
0x73: {  	_ =	shalt  }
0x74: {  	_ =	shalt  }
0x75: {  	_ =	shalt  }
0x76: {  	_ =	shalt  }
0x77: {  	_ =	shalt  }
0x78: {  	_ =	shalt  }
0x79: {  	_ =	shalt  }
0x7a: {  	_ =	shalt  }
0x7b: {  	_ =	shalt  }
0x7c: {  	_ =	shalt  }
0x7d: {  	_ =	shalt  }
0x7e: {  	_ =	shalt  }
0x7f: {  	_ =	shalt  }
0x80: {  	_ =	shalt  }
0x81: {  	_ =	shalt  }
0x82: {  	_ =	shalt  }
0x83: {  	_ =	shalt  }
0x84: {  	_ =	shalt  }
0x85: {  	_ =	shalt  }
0x86: {  	_ =	shalt  }
0x87: {  	_ =	shalt  }
.Lfunc_end0:
.L_simem_size_0:
called_computation_lowered:
.L_overlay_start_0:
0x88: {  	s2 =	sld [smem:$0x3FD9]  }
0x89: {  	s3 =	sld [smem:$0x3FFE];
	_ =	sdelay $0x1  }
0x8a: {  	s1 =	srdreg.scid  }
0x8b: {  	s0 =	sand.u32 $0x1, s1  }
0x8c: {  	s17 =	sshll.u32 s0, $0xA;
	s2 =	sadd.s32 s3, s2  }
0x8d: {  	s2 =	sadd.s32 s2, s17  }
0x8e: {  	[smem:$0x3FC1] =	sst s2  }
0x8f: {  	_ = 	snop  }
0x90: {  	s2 =	sld [smem:$0x3FC9]  }
0x91: {  	s18 =	sld [smem:$0x3FD0];
	(tm) =	ssettm $0x1  }
0x92: {  	s4 =	sld [smem:$0x3FFB];
	_ =	sdelay $0x3  }
0x93: {  	_ =	strace s4  }
0x94: {  	s4 =	sld [smem:$0x3FFC];
	_ =	sdelay $0x3  }
0x95: {  	_ =	strace s4  }
0x96: {  	s4 =	sld [smem:$0x3FFD];
	_ =	sdelay $0x3  }
0x97: {  	_ =	strace s4  }
0x98: {  	_ =	strace $0x8FFFFFFF  }
0x99: {  	s19 =	sld [smem:$0x3FDB];
	_ =	sdelay $0x1  }
0x9a: {  	s5 =	simm.s32 $_scs_section_size  }
0x9b: {  	s6 =	simm.s32 $_size__tile_overlayer_lowered;
	s7 =	simm.s32 $_tile_overlayer_lowered  }
0x9c: {  	s22 =	simm.s32 $0x1BFF;
	s21 =	sshll.u32 s7, $0x1;
	s4 =	sadd.s32 s5, s19  }
0x9d: {  	s8 =	simm.s32 $0x0;
	s20 =	sshll.u32 s6, $0x1;
	s6 =	sadd.s32 s21, s4  }
0x9e: {  	[timem:s8], [sflag:s22] =	dma.local [hbm:s6], s20  }
0x9f: {  	_ =	swait.ge [sflag:s22], s20  }
0xa0: {  	s5 =	ssub.s32 $0x0, s20;
	[sflag:s22] =	ssyncset.done $0x0  }
0xa1: {  	[sflag:s22] =	ssyncadd.s32 s5;
	_ =	sdelay $0x1  }
0xa2: {  	s23 =	simm.s32 $0x1B8B  }
0xa3: {  	_ =	swait.ge [sflag:s23], $0x1  }
0xa4: {  	[sflag:s23] =	ssyncset.done $0x0  }
0xa5: {  	s25 =	simm.s32 $0x1B8E;
	s24 =	sld [smem:$0x3FFE];
	[sflag:s23] =	ssyncadd.s32 $0xFFFFFFFF  }
0xa6: {  	s26 =	simm.s32 $execute0_lowered;
	[smem:$0x3FD2] =	sst s25  }
0xa7: {  	s6 =	sshll.u32 s26, $0x1;
	_ =	strace $0x80000046;
	[dreg:$0x1] =	wrdreg $0xFFFFFFFF  }
0xa8: {  	s28 =	simm.s32 $_size_execute0_lowered;
	s4 =	sadd.s32 s4, s6;
	[dreg:$0x0] =	wrdreg $0x0  }
0xa9: {  	s6 =	sshll.u32 s28, $0x1;
	[dreg:$0x2] =	wrdreg s4  }
0xaa: {  	[dreg:$0x3] =	wrdreg s6  }
0xab: {  	[dreg:$0x4] =	wrdreg $0xC0  }
0xac: {  	_ =	task [dreg:s8], $0x5FFFF  }
0xad: {  	[dreg:$0x1] =	wrdreg $0xFFFFFFFF  }
0xae: {  	[dreg:$0x0] =	wrdreg $0x60  }
0xaf: {  	[dreg:$0x2] =	wrdreg s2  }
0xb0: {  	[dreg:$0x3] =	wrdreg s24  }
0xb1: {  	[dreg:$0x4] =	wrdreg s18  }
0xb2: {  	[dreg:$0x5] =	wrdreg $0x98000  }
0xb3: {  	[dreg:$0x6] =	wrdreg $0x1D7800  }
0xb4: {  	[dreg:$0x7] =	wrdreg $0x9  }
0xb5: {  	_ =	task.clear_ibuf [dreg:s8], $0x8FFFF;
	_ =	strace $0x90000046  }
0xb6: {  	s29 =	simm.s32 $0x9;
	_ =	strace $0x80000048  }
0xb7: {  	_ =	swait.ge [sflag:s29], $0x1  }
0xb8: {  	[sflag:s29] =	ssyncadd.s32 $0xFFFFFFFF  }
0xb9: {  	_ =	strace $0x90000048  }
0xba: {  	_ =	sfence  }
0xbb: {  	s30 =	sld [smem:$0x0];
	_ =	sdelay $0x2  }
0xbc: {  	s31 =	sshll.u32 s1, $0xD;
	s1 =	sshrl.u32 s1, $0x2  }
0xbd: {  	s3 =	sand.u32 $0x4000, s31;
	s1 =	sadd.s32 s1, s30  }
0xbe: {  	s0 =	sor.u32 s3, s0;
	s1 =	sshll.u32 s1, $0x11  }
0xbf: {  	s0 =	sor.u32 s1, s0  }
0xc0: {  	s0 =	sadd.s32 $0x8F2B, s0  }
0xc1: {  	[sflag:s0] =	ssyncadd.remote.s32 $0x1  }
0xc2: {  	_ =	sfence.sel $0xFFFF  }
0xc3: {  	[dreg:$0x0] =	wrdreg $0xFFFFFFFF;
	(pc) =	sbr.abs _section_cstart, $3  }
0xc4: {  	[dreg:$0x1] =	wrdreg $0xFFFFFFFF  }
0xc5: {  	_ =	task.clear_ibuf [dreg:s8], $0x2FFFF;
	_ =	strace $0x9FFFFFFF  }
0xc6: {  	(tm) =	ssettm $0x7FFFFFFF  }
0xc7: {  	_ =	shalt  }
tec
execute0_lowered:
.L_overlay_start_1:
0x0: {  	(tag) =	ssettag $0x1  }
0x1: {  	s1 =	rddreg [dreg:$0x0]  }
0x2: {  	s0 =	rddreg [dreg:$0x1]  }
0x3: {  	s2 =	rddreg [dreg:$0x2]  }
0x4: {  	s3 =	rddreg [dreg:$0x3]  }
0x5: {  	s4 =	rddreg [dreg:$0x4]  }
0x6: {  	s6 =	srdreg.scid;
	s13 =	stileid.u32  }
0x7: {  	s5 =	simm.s32 $0x0;
	s28 =	simm.s32 $0x4;
	s29 =	simm.s32 $0x580  }
0x8: {  	s30 =	simm.s32 $0x100;
	s31 =	simm.s32 $0x600;
	s8 =	smul.u32 $0x13F80, s13  }
0x9: {  	s7 =	sand.u32 $0x1, s6;
	[smem:$0x7FF] =	sst s5;
	s11 =	smul.u32 $0x2800, s13  }
0xa: {  	s6 =	sadd.s32 $0x2200, s0;
	s10 =	sadd.s32 $0x7200, s0;
	s12 =	smul.u32 $0x9FC0, s13  }
0xb: {  	s18 =	sshll.u32 s13, $0x6;
	s13 =	simm.s32 $0x5;
	s9 =	smul.u32 $0x13F800, s7  }
0xc: {  	_ =	strace $0x80000047;
	[dreg:$0x8] =	wrdreg s10;
	s15 =	smul.u32 $0x28000, s7  }
0xd: {  	s7 =	ssub.s32 $0x2, s7;
	s14 =	sor.u32 $0x1C05, s18;
	s18 =	simm.s32 $0x400  }
0xe: {  	s10 =	simm.s32 $0x280;
	s16 =	sshrl.u32 s7, $0x1;
	s19 =	sshrl.u32 s12, $0x2  }
0xf: {  	s12 =	simm.s32 $0x380;
	[dreg:$0x9] =	wrdreg s14;
	s9 =	sadd.s32 s8, s9  }
0x10: {  	s7 =	ssub.s32 s7, s16;
	s8 =	sadd.s32 s8, s3;
	s17 =	sadd.s32 s11, s15  }
0x11: {  	s21 =	sadd.s32 s19, s4;
	s15 =	simm.s32 $0x1;
	s16 =	simm.s32 $0x2  }
0x12: {  	s19 =	simm.s32 $0x80;
	s9 =	sshrl.u32 s9, $0x3;
	s20 =	sadd.s32 $0x50000, s17  }
0x13: {  	s26 =	smax.u32 s7, $0x1;
	s22 =	sshrl.u32 s8, $0x3;
	s7 =	simm.s32 $0x300  }
0x14: {  	s8 =	simm.s32 $0x0;
	s0 =	sadd.s32 s9, s0;
	[dreg:$0xc] =	wrdreg s26  }
0x15: {  	s23 =	sshrl.u32 s20, $0x3;
	s9 =	sshrl.u32 s17, $0x3;
	[dreg:$0xf] =	wrdreg s8  }
0x16: {  	s26 =	sshrl.u32 s21, $0x3;
	s20 =	simm.s32 $0x800;
	[dreg:$0xd] =	wrdreg s22  }
0x17: {  	s21 =	simm.s32 $0x8800;
	s24 =	sadd.s32 $0x9A00, s0;
	[dreg:$0xe] =	wrdreg s26  }
0x18: {  	s17 =	simm.s32 $0x700;
	s0 =	sadd.s32 $0x59800, s0;
	[dreg:$0xa] =	wrdreg s24  }
0x19: {  	s11 =	sadd.s32 s23, s2;
	s25 =	sadd.s32 s9, s2;
	[dreg:$0xb] =	wrdreg s0  }
0x1a: {  	s23 =	simm.s32 $0x4800;
	s2 =	simm.s32 $0x680;
	[dreg:$0x6] =	wrdreg s11  }
0x1b: {  	s9 =	simm.s32 $0x200;
	[dreg:$0x7] =	wrdreg s25;
	s24 =	simm.s32 $0x9000  }
0x1c: {  	s25 =	simm.s32 $0x3;
	s0 =	simm.s32 $0x180;
	s11 =	simm.s32 $0x780  }
.LBB2_1:
0x1d: {  	s8 =	rddreg [dreg:$0x8]  }
0x1e: {  	[spmem:s22], [sflag:s14] =	dma.local [hbm:s8], $0x27F0  }
0x1f: {  	_ =	swait.ge [sflag:s13], $0x27F0  }
0x20: {  	[sflag:s13] =	ssyncset.done $0x0  }
0x21: {  	s22 =	simm.s32 $0x10;
	[sflag:s13] =	ssyncadd.s32 $0xFFFFD810  }
0x22: {  	[spmem:s26@s16], [sflag:s14] =	dma.strided [hbm:s8@s22], $0x4FE, s15, $0x2   }
0x23: {  	_ =	swait.ge [sflag:s13], $0x4FE  }
0x24: {  	[sflag:s13] =	ssyncset.done $0x0  }
0x25: {  	[sflag:s13] =	ssyncadd.s32 $0xFFFFFB02  }
0x26: {  	[bflag:$0x0] =	sbarrier.arrive $0xFFFF  }
0x27: {  	s26 =	rddreg [dreg:$0x7]  }
0x28: {  	s8 =	sadd.s32 $0x0, s26  }
0x29: {  	[tilespmem:s5], [sflag:$0x5] =	stream.linear.gather [hbm4b:s8+s5], $0x400, $0x38;
	[tilespmem:$0x1FF70] =	vst v63  }
0x2a: {  	_ =	swait.ge [sflag:s13], $0x400  }
0x2b: {  	s14 =	rddreg [dreg:$0x6];
	[sflag:s13] =	ssyncset.done $0x0  }
0x2c: {  	[sflag:s13] =	ssyncadd.s32 $0xFFFFFC00;
	s8 =	sadd.s32 $0x0, s14  }
0x2d: {  	[tilespmem:s18], [sflag:$0x5] =	stream.linear.gather [hbm4b:s8+s5], $0x400, $0x38;
	[tilespmem:$0x1FF70] =	vst v63  }
0x2e: {  	_ =	swait.ge [sflag:s13], $0x400  }
0x2f: {  	[sflag:s13] =	ssyncset.done $0x0  }
0x30: {  	[sflag:s13] =	ssyncadd.s32 $0xFFFFFC00  }
0x31: {  	[tilespmem:s20], [sflag:$0x1] =	stream.indirect.gather [hbm4b:s1+s19], $0x80, s18, s19, $0xb8;
	[tilespmem:$0x1FF70] =	vst v63  }
0x32: {  	_ = 	snop  }
0x33: {  	[tilespmem:s21], [sflag:$0x1] =	stream.indirect.gather [hbm4b:s6+s19], $0x10, s18, s19, $0xb8;
	[tilespmem:$0x1FF70] =	vst v63  }
0x34: {  	s22 =	simm.s32 $0x480  }
0x35: {  	[tilespmem:s23], [sflag:$0x2] =	stream.indirect.gather [hbm4b:s1+s19], $0x80, s22, s19, $0xb8;
	[tilespmem:$0x1FF70] =	vst v63  }
0x36: {  	_ = 	snop  }
0x37: {  	[tilespmem:s24], [sflag:$0x2] =	stream.indirect.gather [hbm4b:s6+s19], $0x10, s22, s19, $0xb8;
	[tilespmem:$0x1FF70] =	vst v63  }
0x38: {  	_ =	swait.ge [sflag:s15], $0x4000  }
0x39: {  	[sflag:s15] =	ssyncset.done $0x0  }
0x3a: {  	[sflag:s15] =	ssyncadd.s32 $0xFFFFC000  }
0x3b: {  	_ =	swait.ge [sflag:s15], $0x800  }
0x3c: {  	[sflag:s15] =	ssyncset.done $0x0  }
0x3d: {  	[sflag:s15] =	ssyncadd.s32 $0xFFFFF800  }
0x3e: {  	[spmem:s3] =	stream.indirect.scatter.add.f32 [tilespmem:s20], [sflag:$0x3], $0x80, s5, s19, $0xb8;
	[tilespmem:$0x1FF70] =	vst v63  }
0x3f: {  	_ = 	snop  }
0x40: {  	[spmem:s4] =	stream.indirect.scatter.add.f32 [tilespmem:s21], [sflag:$0x3], $0x10, s5, s19, $0xb8;
	[tilespmem:$0x1FF70] =	vst v63  }
0x41: {  	_ =	swait.ge [sflag:s25], $0x4000  }
0x42: {  	[sflag:s25] =	ssyncset.done $0x0  }
0x43: {  	[sflag:s25] =	ssyncadd.s32 $0xFFFFC000  }
0x44: {  	_ =	swait.ge [sflag:s25], $0x800  }
0x45: {  	[sflag:s25] =	ssyncset.done $0x0  }
0x46: {  	s26 =	simm.s32 $0x500;
	[sflag:s25] =	ssyncadd.s32 $0xFFFFF800  }
0x47: {  	[tilespmem:s20], [sflag:$0x1] =	stream.indirect.gather [hbm4b:s1+s19], $0x80, s26, s19, $0xb8;
	[tilespmem:$0x1FF70] =	vst v63  }
0x48: {  	_ = 	snop  }
0x49: {  	[tilespmem:s21], [sflag:$0x1] =	stream.indirect.gather [hbm4b:s6+s19], $0x10, s26, s19, $0xb8;
	[tilespmem:$0x1FF70] =	vst v63  }
0x4a: {  	_ =	swait.ge [sflag:s16], $0x4000  }
0x4b: {  	[sflag:s16] =	ssyncset.done $0x0  }
0x4c: {  	[sflag:s16] =	ssyncadd.s32 $0xFFFFC000  }
0x4d: {  	_ =	swait.ge [sflag:s16], $0x800  }
0x4e: {  	[sflag:s16] =	ssyncset.done $0x0  }
0x4f: {  	[sflag:s16] =	ssyncadd.s32 $0xFFFFF800  }
0x50: {  	[spmem:s3] =	stream.indirect.scatter.add.f32 [tilespmem:s23], [sflag:$0x4], $0x80, s19, s19, $0xb8;
	[tilespmem:$0x1FF70] =	vst v63  }
0x51: {  	_ = 	snop  }
0x52: {  	[spmem:s4] =	stream.indirect.scatter.add.f32 [tilespmem:s24], [sflag:$0x4], $0x10, s19, s19, $0xb8;
	[tilespmem:$0x1FF70] =	vst v63  }
0x53: {  	_ =	swait.ge [sflag:s28], $0x4000  }
0x54: {  	[sflag:s28] =	ssyncset.done $0x0  }
0x55: {  	[sflag:s28] =	ssyncadd.s32 $0xFFFFC000  }
0x56: {  	_ =	swait.ge [sflag:s28], $0x800  }
0x57: {  	[sflag:s28] =	ssyncset.done $0x0  }
0x58: {  	[sflag:s28] =	ssyncadd.s32 $0xFFFFF800  }
0x59: {  	[tilespmem:s23], [sflag:$0x2] =	stream.indirect.gather [hbm4b:s1+s19], $0x80, s29, s19, $0xb8;
	[tilespmem:$0x1FF70] =	vst v63  }
0x5a: {  	_ = 	snop  }
0x5b: {  	[tilespmem:s24], [sflag:$0x2] =	stream.indirect.gather [hbm4b:s6+s19], $0x10, s29, s19, $0xb8;
	[tilespmem:$0x1FF70] =	vst v63  }
0x5c: {  	_ =	swait.ge [sflag:s15], $0x4000  }
0x5d: {  	[sflag:s15] =	ssyncset.done $0x0  }
0x5e: {  	[sflag:s15] =	ssyncadd.s32 $0xFFFFC000  }
0x5f: {  	_ =	swait.ge [sflag:s15], $0x800  }
0x60: {  	[sflag:s15] =	ssyncset.done $0x0  }
0x61: {  	[sflag:s15] =	ssyncadd.s32 $0xFFFFF800  }
0x62: {  	[spmem:s3] =	stream.indirect.scatter.add.f32 [tilespmem:s20], [sflag:$0x3], $0x80, s30, s19, $0xb8;
	[tilespmem:$0x1FF70] =	vst v63  }
0x63: {  	_ = 	snop  }
0x64: {  	[spmem:s4] =	stream.indirect.scatter.add.f32 [tilespmem:s21], [sflag:$0x3], $0x10, s30, s19, $0xb8;
	[tilespmem:$0x1FF70] =	vst v63  }
0x65: {  	_ =	swait.ge [sflag:s25], $0x4000  }
0x66: {  	[sflag:s25] =	ssyncset.done $0x0  }
0x67: {  	[sflag:s25] =	ssyncadd.s32 $0xFFFFC000  }
0x68: {  	_ =	swait.ge [sflag:s25], $0x800  }
0x69: {  	[sflag:s25] =	ssyncset.done $0x0  }
0x6a: {  	[sflag:s25] =	ssyncadd.s32 $0xFFFFF800  }
0x6b: {  	[tilespmem:s20], [sflag:$0x1] =	stream.indirect.gather [hbm4b:s1+s19], $0x80, s31, s19, $0xb8;
	[tilespmem:$0x1FF70] =	vst v63  }
0x6c: {  	_ = 	snop  }
0x6d: {  	[tilespmem:s21], [sflag:$0x1] =	stream.indirect.gather [hbm4b:s6+s19], $0x10, s31, s19, $0xb8;
	[tilespmem:$0x1FF70] =	vst v63  }
0x6e: {  	_ =	swait.ge [sflag:s16], $0x4000  }
0x6f: {  	[sflag:s16] =	ssyncset.done $0x0  }
0x70: {  	[sflag:s16] =	ssyncadd.s32 $0xFFFFC000  }
0x71: {  	_ =	swait.ge [sflag:s16], $0x800  }
0x72: {  	[sflag:s16] =	ssyncset.done $0x0  }
0x73: {  	[sflag:s16] =	ssyncadd.s32 $0xFFFFF800  }
0x74: {  	[spmem:s3] =	stream.indirect.scatter.add.f32 [tilespmem:s23], [sflag:$0x4], $0x80, s0, s19, $0xb8;
	[tilespmem:$0x1FF70] =	vst v63  }
0x75: {  	_ = 	snop  }
0x76: {  	[spmem:s4] =	stream.indirect.scatter.add.f32 [tilespmem:s24], [sflag:$0x4], $0x10, s0, s19, $0xb8;
	[tilespmem:$0x1FF70] =	vst v63  }
0x77: {  	_ =	swait.ge [sflag:s28], $0x4000  }
0x78: {  	[sflag:s28] =	ssyncset.done $0x0  }
0x79: {  	[sflag:s28] =	ssyncadd.s32 $0xFFFFC000  }
0x7a: {  	_ =	swait.ge [sflag:s28], $0x800  }
0x7b: {  	[sflag:s28] =	ssyncset.done $0x0  }
0x7c: {  	[sflag:s28] =	ssyncadd.s32 $0xFFFFF800  }
0x7d: {  	[tilespmem:s23], [sflag:$0x2] =	stream.indirect.gather [hbm4b:s1+s19], $0x80, s2, s19, $0xb8;
	[tilespmem:$0x1FF70] =	vst v63  }
0x7e: {  	_ = 	snop  }
0x7f: {  	[tilespmem:s24], [sflag:$0x2] =	stream.indirect.gather [hbm4b:s6+s19], $0x10, s2, s19, $0xb8;
	[tilespmem:$0x1FF70] =	vst v63  }
0x80: {  	_ =	swait.ge [sflag:s15], $0x4000  }
0x81: {  	[sflag:s15] =	ssyncset.done $0x0  }
0x82: {  	[sflag:s15] =	ssyncadd.s32 $0xFFFFC000  }
0x83: {  	_ =	swait.ge [sflag:s15], $0x800  }
0x84: {  	[sflag:s15] =	ssyncset.done $0x0  }
0x85: {  	[sflag:s15] =	ssyncadd.s32 $0xFFFFF800  }
0x86: {  	[spmem:s3] =	stream.indirect.scatter.add.f32 [tilespmem:s20], [sflag:$0x3], $0x80, s9, s19, $0xb8;
	[tilespmem:$0x1FF70] =	vst v63  }
0x87: {  	_ = 	snop  }
0x88: {  	[spmem:s4] =	stream.indirect.scatter.add.f32 [tilespmem:s21], [sflag:$0x3], $0x10, s9, s19, $0xb8;
	[tilespmem:$0x1FF70] =	vst v63  }
0x89: {  	_ =	swait.ge [sflag:s25], $0x4000  }
0x8a: {  	[sflag:s25] =	ssyncset.done $0x0  }
0x8b: {  	[sflag:s25] =	ssyncadd.s32 $0xFFFFC000  }
0x8c: {  	_ =	swait.ge [sflag:s25], $0x800  }
0x8d: {  	[sflag:s25] =	ssyncset.done $0x0  }
0x8e: {  	[sflag:s25] =	ssyncadd.s32 $0xFFFFF800  }
0x8f: {  	[tilespmem:s20], [sflag:$0x1] =	stream.indirect.gather [hbm4b:s1+s19], $0x80, s17, s19, $0xb8;
	[tilespmem:$0x1FF70] =	vst v63  }
0x90: {  	_ = 	snop  }
0x91: {  	[tilespmem:s21], [sflag:$0x1] =	stream.indirect.gather [hbm4b:s6+s19], $0x10, s17, s19, $0xb8;
	[tilespmem:$0x1FF70] =	vst v63  }
0x92: {  	_ =	swait.ge [sflag:s16], $0x4000  }
0x93: {  	[sflag:s16] =	ssyncset.done $0x0  }
0x94: {  	[sflag:s16] =	ssyncadd.s32 $0xFFFFC000  }
0x95: {  	_ =	swait.ge [sflag:s16], $0x800  }
0x96: {  	[sflag:s16] =	ssyncset.done $0x0  }
0x97: {  	[sflag:s16] =	ssyncadd.s32 $0xFFFFF800  }
0x98: {  	[spmem:s3] =	stream.indirect.scatter.add.f32 [tilespmem:s23], [sflag:$0x4], $0x80, s10, s19, $0xb8;
	[tilespmem:$0x1FF70] =	vst v63  }
0x99: {  	_ = 	snop  }
0x9a: {  	[spmem:s4] =	stream.indirect.scatter.add.f32 [tilespmem:s24], [sflag:$0x4], $0x10, s10, s19, $0xb8;
	[tilespmem:$0x1FF70] =	vst v63  }
0x9b: {  	_ =	swait.ge [sflag:s28], $0x4000  }
0x9c: {  	[sflag:s28] =	ssyncset.done $0x0  }
0x9d: {  	[sflag:s28] =	ssyncadd.s32 $0xFFFFC000  }
0x9e: {  	_ =	swait.ge [sflag:s28], $0x800  }
0x9f: {  	[sflag:s28] =	ssyncset.done $0x0  }
0xa0: {  	[sflag:s28] =	ssyncadd.s32 $0xFFFFF800  }
0xa1: {  	[tilespmem:s23], [sflag:$0x2] =	stream.indirect.gather [hbm4b:s1+s19], $0x80, s11, s19, $0xb8;
	[tilespmem:$0x1FF70] =	vst v63  }
0xa2: {  	_ = 	snop  }
0xa3: {  	[tilespmem:s24], [sflag:$0x2] =	stream.indirect.gather [hbm4b:s6+s19], $0x10, s11, s19, $0xb8;
	[tilespmem:$0x1FF70] =	vst v63  }
0xa4: {  	_ =	swait.ge [sflag:s15], $0x4000  }
0xa5: {  	[sflag:s15] =	ssyncset.done $0x0  }
0xa6: {  	[sflag:s15] =	ssyncadd.s32 $0xFFFFC000  }
0xa7: {  	_ =	swait.ge [sflag:s15], $0x800  }
0xa8: {  	[sflag:s15] =	ssyncset.done $0x0  }
0xa9: {  	[sflag:s15] =	ssyncadd.s32 $0xFFFFF800  }
0xaa: {  	[spmem:s3] =	stream.indirect.scatter.add.f32 [tilespmem:s20], [sflag:$0x3], $0x80, s7, s19, $0xb8;
	[tilespmem:$0x1FF70] =	vst v63  }
0xab: {  	_ = 	snop  }
0xac: {  	[spmem:s4] =	stream.indirect.scatter.add.f32 [tilespmem:s21], [sflag:$0x3], $0x10, s7, s19, $0xb8;
	[tilespmem:$0x1FF70] =	vst v63  }
0xad: {  	_ =	swait.ge [sflag:s16], $0x4000  }
0xae: {  	[sflag:s16] =	ssyncset.done $0x0  }
0xaf: {  	[sflag:s16] =	ssyncadd.s32 $0xFFFFC000  }
0xb0: {  	_ =	swait.ge [sflag:s16], $0x800  }
0xb1: {  	[sflag:s16] =	ssyncset.done $0x0  }
0xb2: {  	[sflag:s16] =	ssyncadd.s32 $0xFFFFF800  }
0xb3: {  	[spmem:s3] =	stream.indirect.scatter.add.f32 [tilespmem:s23], [sflag:$0x4], $0x80, s12, s19, $0xb8;
	[tilespmem:$0x1FF70] =	vst v63  }
0xb4: {  	_ = 	snop  }
0xb5: {  	[spmem:s4] =	stream.indirect.scatter.add.f32 [tilespmem:s24], [sflag:$0x4], $0x10, s12, s19, $0xb8;
	[tilespmem:$0x1FF70] =	vst v63  }
0xb6: {  	_ =	swait.ge [sflag:s25], $0x4000  }
0xb7: {  	[sflag:s25] =	ssyncset.done $0x0  }
0xb8: {  	[sflag:s25] =	ssyncadd.s32 $0xFFFFC000  }
0xb9: {  	_ =	swait.ge [sflag:s25], $0x800  }
0xba: {  	[sflag:s25] =	ssyncset.done $0x0  }
0xbb: {  	[sflag:s25] =	ssyncadd.s32 $0xFFFFF800  }
0xbc: {  	_ =	swait.ge [sflag:s28], $0x4000  }
0xbd: {  	[sflag:s28] =	ssyncset.done $0x0  }
0xbe: {  	[sflag:s28] =	ssyncadd.s32 $0xFFFFC000  }
0xbf: {  	s14 =	simm.s32 $0x100;
	_ =	swait.ge [sflag:s28], $0x800  }
0xc0: {  	s8 =	simm.s32 $0x80;
	s22 =	rddreg [dreg:$0x7];
	[sflag:s28] =	ssyncset.done $0x0  }
.LBB2_2:
0xc1: {  	[sflag:s28] =	ssyncadd.s32 $0xFFFFF800;
	s22 =	sadd.s32 s8, s22  }
0xc2: {  	[tilespmem:s5], [sflag:$0x5] =	stream.linear.gather [hbm4b:s22+s5], $0x400, $0x38;
	[tilespmem:$0x1FF70] =	vst v63  }
0xc3: {  	_ =	swait.ge [sflag:s13], $0x400  }
0xc4: {  	s22 =	rddreg [dreg:$0x6];
	[sflag:s13] =	ssyncset.done $0x0  }
0xc5: {  	[sflag:s13] =	ssyncadd.s32 $0xFFFFFC00;
	s22 =	sadd.s32 s8, s22  }
0xc6: {  	[tilespmem:s18], [sflag:$0x5] =	stream.linear.gather [hbm4b:s22+s5], $0x400, $0x38;
	[tilespmem:$0x1FF70] =	vst v63  }
0xc7: {  	_ =	swait.ge [sflag:s13], $0x400  }
0xc8: {  	[sflag:s13] =	ssyncset.done $0x0  }
0xc9: {  	[sflag:s13] =	ssyncadd.s32 $0xFFFFFC00  }
0xca: {  	[tilespmem:s20], [sflag:$0x1] =	stream.indirect.gather [hbm4b:s1+s19], $0x80, s18, s19, $0xb8;
	[tilespmem:$0x1FF70] =	vst v63  }
0xcb: {  	s26 =	smov.u32 s14  }
0xcc: {  	[tilespmem:s21], [sflag:$0x1] =	stream.indirect.gather [hbm4b:s6+s19], $0x10, s18, s19, $0xb8;
	[tilespmem:$0x1FF70] =	vst v63  }
0xcd: {  	s8 =	smov.u32 s26;
	s26 =	simm.s32 $0x480  }
0xce: {  	[tilespmem:s23], [sflag:$0x2] =	stream.indirect.gather [hbm4b:s1+s19], $0x80, s26, s19, $0xb8;
	[tilespmem:$0x1FF70] =	vst v63  }
0xcf: {  	_ = 	snop  }
0xd0: {  	[tilespmem:s24], [sflag:$0x2] =	stream.indirect.gather [hbm4b:s6+s19], $0x10, s26, s19, $0xb8;
	[tilespmem:$0x1FF70] =	vst v63  }
0xd1: {  	_ =	swait.ge [sflag:s15], $0x4000  }
0xd2: {  	[sflag:s15] =	ssyncset.done $0x0  }
0xd3: {  	[sflag:s15] =	ssyncadd.s32 $0xFFFFC000  }
0xd4: {  	_ =	swait.ge [sflag:s15], $0x800  }
0xd5: {  	[sflag:s15] =	ssyncset.done $0x0  }
0xd6: {  	[sflag:s15] =	ssyncadd.s32 $0xFFFFF800  }
0xd7: {  	[spmem:s3] =	stream.indirect.scatter.add.f32 [tilespmem:s20], [sflag:$0x3], $0x80, s5, s19, $0xb8;
	[tilespmem:$0x1FF70] =	vst v63  }
0xd8: {  	_ = 	snop  }
0xd9: {  	[spmem:s4] =	stream.indirect.scatter.add.f32 [tilespmem:s21], [sflag:$0x3], $0x10, s5, s19, $0xb8;
	[tilespmem:$0x1FF70] =	vst v63  }
0xda: {  	_ =	swait.ge [sflag:s25], $0x4000  }
0xdb: {  	[sflag:s25] =	ssyncset.done $0x0  }
0xdc: {  	[sflag:s25] =	ssyncadd.s32 $0xFFFFC000  }
0xdd: {  	_ =	swait.ge [sflag:s25], $0x800  }
0xde: {  	[sflag:s25] =	ssyncset.done $0x0  }
0xdf: {  	s26 =	simm.s32 $0x500;
	[sflag:s25] =	ssyncadd.s32 $0xFFFFF800  }
0xe0: {  	[tilespmem:s20], [sflag:$0x1] =	stream.indirect.gather [hbm4b:s1+s19], $0x80, s26, s19, $0xb8;
	[tilespmem:$0x1FF70] =	vst v63  }
0xe1: {  	_ = 	snop  }
0xe2: {  	[tilespmem:s21], [sflag:$0x1] =	stream.indirect.gather [hbm4b:s6+s19], $0x10, s26, s19, $0xb8;
	[tilespmem:$0x1FF70] =	vst v63  }
0xe3: {  	_ =	swait.ge [sflag:s16], $0x4000  }
0xe4: {  	[sflag:s16] =	ssyncset.done $0x0  }
0xe5: {  	[sflag:s16] =	ssyncadd.s32 $0xFFFFC000  }
0xe6: {  	_ =	swait.ge [sflag:s16], $0x800  }
0xe7: {  	[sflag:s16] =	ssyncset.done $0x0  }
0xe8: {  	[sflag:s16] =	ssyncadd.s32 $0xFFFFF800  }
0xe9: {  	[spmem:s3] =	stream.indirect.scatter.add.f32 [tilespmem:s23], [sflag:$0x4], $0x80, s19, s19, $0xb8;
	[tilespmem:$0x1FF70] =	vst v63  }
0xea: {  	_ = 	snop  }
0xeb: {  	[spmem:s4] =	stream.indirect.scatter.add.f32 [tilespmem:s24], [sflag:$0x4], $0x10, s19, s19, $0xb8;
	[tilespmem:$0x1FF70] =	vst v63  }
0xec: {  	_ =	swait.ge [sflag:s28], $0x4000  }
0xed: {  	[sflag:s28] =	ssyncset.done $0x0  }
0xee: {  	[sflag:s28] =	ssyncadd.s32 $0xFFFFC000  }
0xef: {  	_ =	swait.ge [sflag:s28], $0x800  }
0xf0: {  	[sflag:s28] =	ssyncset.done $0x0  }
0xf1: {  	[sflag:s28] =	ssyncadd.s32 $0xFFFFF800  }
0xf2: {  	[tilespmem:s23], [sflag:$0x2] =	stream.indirect.gather [hbm4b:s1+s19], $0x80, s29, s19, $0xb8;
	[tilespmem:$0x1FF70] =	vst v63  }
0xf3: {  	_ = 	snop  }
0xf4: {  	[tilespmem:s24], [sflag:$0x2] =	stream.indirect.gather [hbm4b:s6+s19], $0x10, s29, s19, $0xb8;
	[tilespmem:$0x1FF70] =	vst v63  }
0xf5: {  	_ =	swait.ge [sflag:s15], $0x4000  }
0xf6: {  	[sflag:s15] =	ssyncset.done $0x0  }
0xf7: {  	[sflag:s15] =	ssyncadd.s32 $0xFFFFC000  }
0xf8: {  	_ =	swait.ge [sflag:s15], $0x800  }
0xf9: {  	[sflag:s15] =	ssyncset.done $0x0  }
0xfa: {  	[sflag:s15] =	ssyncadd.s32 $0xFFFFF800  }
0xfb: {  	[spmem:s3] =	stream.indirect.scatter.add.f32 [tilespmem:s20], [sflag:$0x3], $0x80, s30, s19, $0xb8;
	[tilespmem:$0x1FF70] =	vst v63  }
0xfc: {  	_ = 	snop  }
0xfd: {  	[spmem:s4] =	stream.indirect.scatter.add.f32 [tilespmem:s21], [sflag:$0x3], $0x10, s30, s19, $0xb8;
	[tilespmem:$0x1FF70] =	vst v63  }
0xfe: {  	_ =	swait.ge [sflag:s25], $0x4000  }
0xff: {  	[sflag:s25] =	ssyncset.done $0x0  }
0x100: {  	[sflag:s25] =	ssyncadd.s32 $0xFFFFC000  }
0x101: {  	_ =	swait.ge [sflag:s25], $0x800  }
0x102: {  	[sflag:s25] =	ssyncset.done $0x0  }
0x103: {  	[sflag:s25] =	ssyncadd.s32 $0xFFFFF800  }
0x104: {  	[tilespmem:s20], [sflag:$0x1] =	stream.indirect.gather [hbm4b:s1+s19], $0x80, s31, s19, $0xb8;
	[tilespmem:$0x1FF70] =	vst v63  }
0x105: {  	_ = 	snop  }
0x106: {  	[tilespmem:s21], [sflag:$0x1] =	stream.indirect.gather [hbm4b:s6+s19], $0x10, s31, s19, $0xb8;
	[tilespmem:$0x1FF70] =	vst v63  }
0x107: {  	_ =	swait.ge [sflag:s16], $0x4000  }
0x108: {  	[sflag:s16] =	ssyncset.done $0x0  }
0x109: {  	[sflag:s16] =	ssyncadd.s32 $0xFFFFC000  }
0x10a: {  	_ =	swait.ge [sflag:s16], $0x800  }
0x10b: {  	[sflag:s16] =	ssyncset.done $0x0  }
0x10c: {  	[sflag:s16] =	ssyncadd.s32 $0xFFFFF800  }
0x10d: {  	[spmem:s3] =	stream.indirect.scatter.add.f32 [tilespmem:s23], [sflag:$0x4], $0x80, s0, s19, $0xb8;
	[tilespmem:$0x1FF70] =	vst v63  }
0x10e: {  	_ = 	snop  }
0x10f: {  	[spmem:s4] =	stream.indirect.scatter.add.f32 [tilespmem:s24], [sflag:$0x4], $0x10, s0, s19, $0xb8;
	[tilespmem:$0x1FF70] =	vst v63  }
0x110: {  	_ =	swait.ge [sflag:s28], $0x4000  }
0x111: {  	[sflag:s28] =	ssyncset.done $0x0  }
0x112: {  	[sflag:s28] =	ssyncadd.s32 $0xFFFFC000  }
0x113: {  	_ =	swait.ge [sflag:s28], $0x800  }
0x114: {  	[sflag:s28] =	ssyncset.done $0x0  }
0x115: {  	[sflag:s28] =	ssyncadd.s32 $0xFFFFF800  }
0x116: {  	[tilespmem:s23], [sflag:$0x2] =	stream.indirect.gather [hbm4b:s1+s19], $0x80, s2, s19, $0xb8;
	[tilespmem:$0x1FF70] =	vst v63  }
0x117: {  	_ = 	snop  }
0x118: {  	[tilespmem:s24], [sflag:$0x2] =	stream.indirect.gather [hbm4b:s6+s19], $0x10, s2, s19, $0xb8;
	[tilespmem:$0x1FF70] =	vst v63  }
0x119: {  	_ =	swait.ge [sflag:s15], $0x4000  }
0x11a: {  	[sflag:s15] =	ssyncset.done $0x0  }
0x11b: {  	[sflag:s15] =	ssyncadd.s32 $0xFFFFC000  }
0x11c: {  	_ =	swait.ge [sflag:s15], $0x800  }
0x11d: {  	[sflag:s15] =	ssyncset.done $0x0  }
0x11e: {  	[sflag:s15] =	ssyncadd.s32 $0xFFFFF800  }
0x11f: {  	[spmem:s3] =	stream.indirect.scatter.add.f32 [tilespmem:s20], [sflag:$0x3], $0x80, s9, s19, $0xb8;
	[tilespmem:$0x1FF70] =	vst v63  }
0x120: {  	_ = 	snop  }
0x121: {  	[spmem:s4] =	stream.indirect.scatter.add.f32 [tilespmem:s21], [sflag:$0x3], $0x10, s9, s19, $0xb8;
	[tilespmem:$0x1FF70] =	vst v63  }
0x122: {  	_ =	swait.ge [sflag:s25], $0x4000  }
0x123: {  	[sflag:s25] =	ssyncset.done $0x0  }
0x124: {  	[sflag:s25] =	ssyncadd.s32 $0xFFFFC000  }
0x125: {  	_ =	swait.ge [sflag:s25], $0x800  }
0x126: {  	[sflag:s25] =	ssyncset.done $0x0  }
0x127: {  	[sflag:s25] =	ssyncadd.s32 $0xFFFFF800  }
0x128: {  	[tilespmem:s20], [sflag:$0x1] =	stream.indirect.gather [hbm4b:s1+s19], $0x80, s17, s19, $0xb8;
	[tilespmem:$0x1FF70] =	vst v63  }
0x129: {  	_ = 	snop  }
0x12a: {  	[tilespmem:s21], [sflag:$0x1] =	stream.indirect.gather [hbm4b:s6+s19], $0x10, s17, s19, $0xb8;
	[tilespmem:$0x1FF70] =	vst v63  }
0x12b: {  	_ =	swait.ge [sflag:s16], $0x4000  }
0x12c: {  	[sflag:s16] =	ssyncset.done $0x0  }
0x12d: {  	[sflag:s16] =	ssyncadd.s32 $0xFFFFC000  }
0x12e: {  	_ =	swait.ge [sflag:s16], $0x800  }
0x12f: {  	[sflag:s16] =	ssyncset.done $0x0  }
0x130: {  	[sflag:s16] =	ssyncadd.s32 $0xFFFFF800  }
0x131: {  	[spmem:s3] =	stream.indirect.scatter.add.f32 [tilespmem:s23], [sflag:$0x4], $0x80, s10, s19, $0xb8;
	[tilespmem:$0x1FF70] =	vst v63  }
0x132: {  	_ = 	snop  }
0x133: {  	[spmem:s4] =	stream.indirect.scatter.add.f32 [tilespmem:s24], [sflag:$0x4], $0x10, s10, s19, $0xb8;
	[tilespmem:$0x1FF70] =	vst v63  }
0x134: {  	_ =	swait.ge [sflag:s28], $0x4000  }
0x135: {  	[sflag:s28] =	ssyncset.done $0x0  }
0x136: {  	[sflag:s28] =	ssyncadd.s32 $0xFFFFC000  }
0x137: {  	_ =	swait.ge [sflag:s28], $0x800  }
0x138: {  	[sflag:s28] =	ssyncset.done $0x0  }
0x139: {  	[sflag:s28] =	ssyncadd.s32 $0xFFFFF800  }
0x13a: {  	[tilespmem:s23], [sflag:$0x2] =	stream.indirect.gather [hbm4b:s1+s19], $0x80, s11, s19, $0xb8;
	[tilespmem:$0x1FF70] =	vst v63  }
0x13b: {  	_ = 	snop  }
0x13c: {  	[tilespmem:s24], [sflag:$0x2] =	stream.indirect.gather [hbm4b:s6+s19], $0x10, s11, s19, $0xb8;
	[tilespmem:$0x1FF70] =	vst v63  }
0x13d: {  	_ =	swait.ge [sflag:s15], $0x4000  }
0x13e: {  	[sflag:s15] =	ssyncset.done $0x0  }
0x13f: {  	[sflag:s15] =	ssyncadd.s32 $0xFFFFC000  }
0x140: {  	_ =	swait.ge [sflag:s15], $0x800  }
0x141: {  	[sflag:s15] =	ssyncset.done $0x0  }
0x142: {  	[sflag:s15] =	ssyncadd.s32 $0xFFFFF800  }
0x143: {  	[spmem:s3] =	stream.indirect.scatter.add.f32 [tilespmem:s20], [sflag:$0x3], $0x80, s7, s19, $0xb8;
	[tilespmem:$0x1FF70] =	vst v63  }
0x144: {  	_ = 	snop  }
0x145: {  	[spmem:s4] =	stream.indirect.scatter.add.f32 [tilespmem:s21], [sflag:$0x3], $0x10, s7, s19, $0xb8;
	[tilespmem:$0x1FF70] =	vst v63  }
0x146: {  	_ =	swait.ge [sflag:s16], $0x4000  }
0x147: {  	[sflag:s16] =	ssyncset.done $0x0  }
0x148: {  	[sflag:s16] =	ssyncadd.s32 $0xFFFFC000  }
0x149: {  	_ =	swait.ge [sflag:s16], $0x800  }
0x14a: {  	[sflag:s16] =	ssyncset.done $0x0  }
0x14b: {  	[sflag:s16] =	ssyncadd.s32 $0xFFFFF800  }
0x14c: {  	[spmem:s3] =	stream.indirect.scatter.add.f32 [tilespmem:s23], [sflag:$0x4], $0x80, s12, s19, $0xb8;
	[tilespmem:$0x1FF70] =	vst v63  }
0x14d: {  	_ = 	snop  }
0x14e: {  	[spmem:s4] =	stream.indirect.scatter.add.f32 [tilespmem:s24], [sflag:$0x4], $0x10, s12, s19, $0xb8;
	[tilespmem:$0x1FF70] =	vst v63  }
0x14f: {  	_ =	swait.ge [sflag:s25], $0x4000  }
0x150: {  	[sflag:s25] =	ssyncset.done $0x0  }
0x151: {  	[sflag:s25] =	ssyncadd.s32 $0xFFFFC000  }
0x152: {  	_ =	swait.ge [sflag:s25], $0x800  }
0x153: {  	[sflag:s25] =	ssyncset.done $0x0  }
0x154: {  	p0 =	sne.s32 s14, $0x480;
	[sflag:s25] =	ssyncadd.s32 $0xFFFFF800  }
.Ltmp0:
0x155: {  	_ =	swait.ge [sflag:s28], $0x4000;
	(pc) =	sbr.rel @p0 .LBB2_2-.Ltmp0, $4  }
0x156: {  	[sflag:s28] =	ssyncset.done $0x0  }
0x157: {  	[sflag:s28] =	ssyncadd.s32 $0xFFFFC000  }
0x158: {  	_ =	swait.ge [sflag:s28], $0x800  }
0x159: {  	s14 =	sadd.s32 $0x80, s14;
	s22 =	rddreg [dreg:$0x7];
	[sflag:s28] =	ssyncset.done $0x0  }
0x15a: {  	[sflag:s28] =	ssyncadd.s32 $0xFFFFF800;
	s14 =	sadd.s32 s8, s22  }
0x15b: {  	[tilespmem:s5], [sflag:$0x5] =	stream.linear.gather [hbm4b:s14+s5], $0x400, $0x38;
	[tilespmem:$0x1FF70] =	vst v63  }
0x15c: {  	_ =	swait.ge [sflag:s13], $0x400  }
0x15d: {  	s26 =	rddreg [dreg:$0x6];
	[sflag:s13] =	ssyncset.done $0x0  }
0x15e: {  	s22 =	sadd.s32 s8, s26;
	[sflag:s13] =	ssyncadd.s32 $0xFFFFFC00  }
0x15f: {  	[tilespmem:s18], [sflag:$0x5] =	stream.linear.gather [hbm4b:s22+s5], $0x400, $0x38;
	[tilespmem:$0x1FF70] =	vst v63  }
0x160: {  	_ =	swait.ge [sflag:s13], $0x400  }
0x161: {  	[sflag:s13] =	ssyncset.done $0x0  }
0x162: {  	[sflag:s13] =	ssyncadd.s32 $0xFFFFFC00  }
0x163: {  	[tilespmem:s20], [sflag:$0x1] =	stream.indirect.gather [hbm4b:s1+s19], $0x80, s18, s19, $0xb8;
	[tilespmem:$0x1FF70] =	vst v63  }
0x164: {  	_ = 	snop  }
0x165: {  	[tilespmem:s21], [sflag:$0x1] =	stream.indirect.gather [hbm4b:s6+s19], $0x10, s18, s19, $0xb8;
	[tilespmem:$0x1FF70] =	vst v63  }
0x166: {  	s26 =	simm.s32 $0x480  }
0x167: {  	[tilespmem:s23], [sflag:$0x2] =	stream.indirect.gather [hbm4b:s1+s19], $0x80, s26, s19, $0xb8;
	[tilespmem:$0x1FF70] =	vst v63  }
0x168: {  	_ = 	snop  }
0x169: {  	[tilespmem:s24], [sflag:$0x2] =	stream.indirect.gather [hbm4b:s6+s19], $0x10, s26, s19, $0xb8;
	[tilespmem:$0x1FF70] =	vst v63  }
0x16a: {  	_ =	swait.ge [sflag:s15], $0x4000  }
0x16b: {  	[sflag:s15] =	ssyncset.done $0x0  }
0x16c: {  	[sflag:s15] =	ssyncadd.s32 $0xFFFFC000  }
0x16d: {  	_ =	swait.ge [sflag:s15], $0x800  }
0x16e: {  	[sflag:s15] =	ssyncset.done $0x0  }
0x16f: {  	[sflag:s15] =	ssyncadd.s32 $0xFFFFF800  }
0x170: {  	[spmem:s3] =	stream.indirect.scatter.add.f32 [tilespmem:s20], [sflag:$0x3], $0x80, s5, s19, $0xb8;
	[tilespmem:$0x1FF70] =	vst v63  }
0x171: {  	_ = 	snop  }
0x172: {  	[spmem:s4] =	stream.indirect.scatter.add.f32 [tilespmem:s21], [sflag:$0x3], $0x10, s5, s19, $0xb8;
	[tilespmem:$0x1FF70] =	vst v63  }
0x173: {  	_ =	swait.ge [sflag:s25], $0x4000  }
0x174: {  	[sflag:s25] =	ssyncset.done $0x0  }
0x175: {  	[sflag:s25] =	ssyncadd.s32 $0xFFFFC000  }
0x176: {  	_ =	swait.ge [sflag:s25], $0x800  }
0x177: {  	[sflag:s25] =	ssyncset.done $0x0  }
0x178: {  	s14 =	simm.s32 $0x500;
	[sflag:s25] =	ssyncadd.s32 $0xFFFFF800  }
0x179: {  	[tilespmem:s20], [sflag:$0x1] =	stream.indirect.gather [hbm4b:s1+s19], $0x80, s14, s19, $0xb8;
	[tilespmem:$0x1FF70] =	vst v63  }
0x17a: {  	_ = 	snop  }
0x17b: {  	[tilespmem:s21], [sflag:$0x1] =	stream.indirect.gather [hbm4b:s6+s19], $0x10, s14, s19, $0xb8;
	[tilespmem:$0x1FF70] =	vst v63  }
0x17c: {  	_ =	swait.ge [sflag:s16], $0x4000  }
0x17d: {  	[sflag:s16] =	ssyncset.done $0x0  }
0x17e: {  	[sflag:s16] =	ssyncadd.s32 $0xFFFFC000  }
0x17f: {  	_ =	swait.ge [sflag:s16], $0x800  }
0x180: {  	[sflag:s16] =	ssyncset.done $0x0  }
0x181: {  	[sflag:s16] =	ssyncadd.s32 $0xFFFFF800  }
0x182: {  	[spmem:s3] =	stream.indirect.scatter.add.f32 [tilespmem:s23], [sflag:$0x4], $0x80, s19, s19, $0xb8;
	[tilespmem:$0x1FF70] =	vst v63  }
0x183: {  	_ = 	snop  }
0x184: {  	[spmem:s4] =	stream.indirect.scatter.add.f32 [tilespmem:s24], [sflag:$0x4], $0x10, s19, s19, $0xb8;
	[tilespmem:$0x1FF70] =	vst v63  }
0x185: {  	_ =	swait.ge [sflag:s28], $0x4000  }
0x186: {  	[sflag:s28] =	ssyncset.done $0x0  }
0x187: {  	[sflag:s28] =	ssyncadd.s32 $0xFFFFC000  }
0x188: {  	_ =	swait.ge [sflag:s28], $0x800  }
0x189: {  	[sflag:s28] =	ssyncset.done $0x0  }
0x18a: {  	[sflag:s28] =	ssyncadd.s32 $0xFFFFF800  }
0x18b: {  	[tilespmem:s23], [sflag:$0x2] =	stream.indirect.gather [hbm4b:s1+s19], $0x80, s29, s19, $0xb8;
	[tilespmem:$0x1FF70] =	vst v63  }
0x18c: {  	_ = 	snop  }
0x18d: {  	[tilespmem:s24], [sflag:$0x2] =	stream.indirect.gather [hbm4b:s6+s19], $0x10, s29, s19, $0xb8;
	[tilespmem:$0x1FF70] =	vst v63  }
0x18e: {  	_ =	swait.ge [sflag:s15], $0x4000  }
0x18f: {  	[sflag:s15] =	ssyncset.done $0x0  }
0x190: {  	[sflag:s15] =	ssyncadd.s32 $0xFFFFC000  }
0x191: {  	_ =	swait.ge [sflag:s15], $0x800  }
0x192: {  	[sflag:s15] =	ssyncset.done $0x0  }
0x193: {  	[sflag:s15] =	ssyncadd.s32 $0xFFFFF800  }
0x194: {  	[spmem:s3] =	stream.indirect.scatter.add.f32 [tilespmem:s20], [sflag:$0x3], $0x80, s30, s19, $0xb8;
	[tilespmem:$0x1FF70] =	vst v63  }
0x195: {  	_ = 	snop  }
0x196: {  	[spmem:s4] =	stream.indirect.scatter.add.f32 [tilespmem:s21], [sflag:$0x3], $0x10, s30, s19, $0xb8;
	[tilespmem:$0x1FF70] =	vst v63  }
0x197: {  	_ =	swait.ge [sflag:s25], $0x4000  }
0x198: {  	[sflag:s25] =	ssyncset.done $0x0  }
0x199: {  	[sflag:s25] =	ssyncadd.s32 $0xFFFFC000  }
0x19a: {  	_ =	swait.ge [sflag:s25], $0x800  }
0x19b: {  	[sflag:s25] =	ssyncset.done $0x0  }
0x19c: {  	[sflag:s25] =	ssyncadd.s32 $0xFFFFF800  }
0x19d: {  	[tilespmem:s20], [sflag:$0x1] =	stream.indirect.gather [hbm4b:s1+s19], $0x80, s31, s19, $0xb8;
	[tilespmem:$0x1FF70] =	vst v63  }
0x19e: {  	_ = 	snop  }
0x19f: {  	[tilespmem:s21], [sflag:$0x1] =	stream.indirect.gather [hbm4b:s6+s19], $0x10, s31, s19, $0xb8;
	[tilespmem:$0x1FF70] =	vst v63  }
0x1a0: {  	_ =	swait.ge [sflag:s16], $0x4000  }
0x1a1: {  	[sflag:s16] =	ssyncset.done $0x0  }
0x1a2: {  	[sflag:s16] =	ssyncadd.s32 $0xFFFFC000  }
0x1a3: {  	_ =	swait.ge [sflag:s16], $0x800  }
0x1a4: {  	[sflag:s16] =	ssyncset.done $0x0  }
0x1a5: {  	[sflag:s16] =	ssyncadd.s32 $0xFFFFF800  }
0x1a6: {  	[spmem:s3] =	stream.indirect.scatter.add.f32 [tilespmem:s23], [sflag:$0x4], $0x80, s0, s19, $0xb8;
	[tilespmem:$0x1FF70] =	vst v63  }
0x1a7: {  	_ = 	snop  }
0x1a8: {  	[spmem:s4] =	stream.indirect.scatter.add.f32 [tilespmem:s24], [sflag:$0x4], $0x10, s0, s19, $0xb8;
	[tilespmem:$0x1FF70] =	vst v63  }
0x1a9: {  	_ =	swait.ge [sflag:s28], $0x4000  }
0x1aa: {  	[sflag:s28] =	ssyncset.done $0x0  }
0x1ab: {  	[sflag:s28] =	ssyncadd.s32 $0xFFFFC000  }
0x1ac: {  	_ =	swait.ge [sflag:s28], $0x800  }
0x1ad: {  	[sflag:s28] =	ssyncset.done $0x0  }
0x1ae: {  	[sflag:s28] =	ssyncadd.s32 $0xFFFFF800  }
0x1af: {  	[tilespmem:s23], [sflag:$0x2] =	stream.indirect.gather [hbm4b:s1+s19], $0x80, s2, s19, $0xb8;
	[tilespmem:$0x1FF70] =	vst v63  }
0x1b0: {  	_ = 	snop  }
0x1b1: {  	[tilespmem:s24], [sflag:$0x2] =	stream.indirect.gather [hbm4b:s6+s19], $0x10, s2, s19, $0xb8;
	[tilespmem:$0x1FF70] =	vst v63  }
0x1b2: {  	_ =	swait.ge [sflag:s15], $0x4000  }
0x1b3: {  	[sflag:s15] =	ssyncset.done $0x0  }
0x1b4: {  	[sflag:s15] =	ssyncadd.s32 $0xFFFFC000  }
0x1b5: {  	_ =	swait.ge [sflag:s15], $0x800  }
0x1b6: {  	[sflag:s15] =	ssyncset.done $0x0  }
0x1b7: {  	[sflag:s15] =	ssyncadd.s32 $0xFFFFF800  }
0x1b8: {  	[spmem:s3] =	stream.indirect.scatter.add.f32 [tilespmem:s20], [sflag:$0x3], $0x80, s9, s19, $0xb8;
	[tilespmem:$0x1FF70] =	vst v63  }
0x1b9: {  	_ = 	snop  }
0x1ba: {  	[spmem:s4] =	stream.indirect.scatter.add.f32 [tilespmem:s21], [sflag:$0x3], $0x10, s9, s19, $0xb8;
	[tilespmem:$0x1FF70] =	vst v63  }
0x1bb: {  	_ =	swait.ge [sflag:s25], $0x4000  }
0x1bc: {  	[sflag:s25] =	ssyncset.done $0x0  }
0x1bd: {  	[sflag:s25] =	ssyncadd.s32 $0xFFFFC000  }
0x1be: {  	_ =	swait.ge [sflag:s25], $0x800  }
0x1bf: {  	[sflag:s25] =	ssyncset.done $0x0  }
0x1c0: {  	[sflag:s25] =	ssyncadd.s32 $0xFFFFF800  }
0x1c1: {  	[tilespmem:s20], [sflag:$0x1] =	stream.indirect.gather [hbm4b:s1+s19], $0x80, s17, s19, $0xb8;
	[tilespmem:$0x1FF70] =	vst v63  }
0x1c2: {  	_ = 	snop  }
0x1c3: {  	[tilespmem:s21], [sflag:$0x1] =	stream.indirect.gather [hbm4b:s6+s19], $0x10, s17, s19, $0xb8;
	[tilespmem:$0x1FF70] =	vst v63  }
0x1c4: {  	_ =	swait.ge [sflag:s16], $0x4000  }
0x1c5: {  	[sflag:s16] =	ssyncset.done $0x0  }
0x1c6: {  	[sflag:s16] =	ssyncadd.s32 $0xFFFFC000  }
0x1c7: {  	_ =	swait.ge [sflag:s16], $0x800  }
0x1c8: {  	[sflag:s16] =	ssyncset.done $0x0  }
0x1c9: {  	[sflag:s16] =	ssyncadd.s32 $0xFFFFF800  }
0x1ca: {  	[spmem:s3] =	stream.indirect.scatter.add.f32 [tilespmem:s23], [sflag:$0x4], $0x80, s10, s19, $0xb8;
	[tilespmem:$0x1FF70] =	vst v63  }
0x1cb: {  	_ = 	snop  }
0x1cc: {  	[spmem:s4] =	stream.indirect.scatter.add.f32 [tilespmem:s24], [sflag:$0x4], $0x10, s10, s19, $0xb8;
	[tilespmem:$0x1FF70] =	vst v63  }
0x1cd: {  	_ =	swait.ge [sflag:s28], $0x4000  }
0x1ce: {  	[sflag:s28] =	ssyncset.done $0x0  }
0x1cf: {  	[sflag:s28] =	ssyncadd.s32 $0xFFFFC000  }
0x1d0: {  	_ =	swait.ge [sflag:s28], $0x800  }
0x1d1: {  	[sflag:s28] =	ssyncset.done $0x0  }
0x1d2: {  	[sflag:s28] =	ssyncadd.s32 $0xFFFFF800  }
0x1d3: {  	[tilespmem:s23], [sflag:$0x2] =	stream.indirect.gather [hbm4b:s1+s19], $0x80, s11, s19, $0xb8;
	[tilespmem:$0x1FF70] =	vst v63  }
0x1d4: {  	_ = 	snop  }
0x1d5: {  	[tilespmem:s24], [sflag:$0x2] =	stream.indirect.gather [hbm4b:s6+s19], $0x10, s11, s19, $0xb8;
	[tilespmem:$0x1FF70] =	vst v63  }
0x1d6: {  	_ =	swait.ge [sflag:s15], $0x4000  }
0x1d7: {  	[sflag:s15] =	ssyncset.done $0x0  }
0x1d8: {  	[sflag:s15] =	ssyncadd.s32 $0xFFFFC000  }
0x1d9: {  	_ =	swait.ge [sflag:s15], $0x800  }
0x1da: {  	[sflag:s15] =	ssyncset.done $0x0  }
0x1db: {  	[sflag:s15] =	ssyncadd.s32 $0xFFFFF800  }
0x1dc: {  	[spmem:s3] =	stream.indirect.scatter.add.f32 [tilespmem:s20], [sflag:$0x3], $0x80, s7, s19, $0xb8;
	[tilespmem:$0x1FF70] =	vst v63  }
0x1dd: {  	_ = 	snop  }
0x1de: {  	[spmem:s4] =	stream.indirect.scatter.add.f32 [tilespmem:s21], [sflag:$0x3], $0x10, s7, s19, $0xb8;
	[tilespmem:$0x1FF70] =	vst v63  }
0x1df: {  	_ =	swait.ge [sflag:s16], $0x4000  }
0x1e0: {  	[sflag:s16] =	ssyncset.done $0x0  }
0x1e1: {  	[sflag:s16] =	ssyncadd.s32 $0xFFFFC000  }
0x1e2: {  	_ =	swait.ge [sflag:s16], $0x800  }
0x1e3: {  	[sflag:s16] =	ssyncset.done $0x0  }
0x1e4: {  	[sflag:s16] =	ssyncadd.s32 $0xFFFFF800  }
0x1e5: {  	[spmem:s3] =	stream.indirect.scatter.add.f32 [tilespmem:s23], [sflag:$0x4], $0x80, s12, s19, $0xb8;
	[tilespmem:$0x1FF70] =	vst v63  }
0x1e6: {  	_ = 	snop  }
0x1e7: {  	[spmem:s4] =	stream.indirect.scatter.add.f32 [tilespmem:s24], [sflag:$0x4], $0x10, s12, s19, $0xb8;
	[tilespmem:$0x1FF70] =	vst v63  }
0x1e8: {  	_ =	swait.ge [sflag:s25], $0x4000  }
0x1e9: {  	[sflag:s25] =	ssyncset.done $0x0  }
0x1ea: {  	[sflag:s25] =	ssyncadd.s32 $0xFFFFC000  }
0x1eb: {  	_ =	swait.ge [sflag:s25], $0x800  }
0x1ec: {  	[sflag:s25] =	ssyncset.done $0x0  }
0x1ed: {  	[sflag:s25] =	ssyncadd.s32 $0xFFFFF800  }
0x1ee: {  	_ =	swait.ge [sflag:s28], $0x4000  }
0x1ef: {  	[sflag:s28] =	ssyncset.done $0x0  }
0x1f0: {  	[sflag:s28] =	ssyncadd.s32 $0xFFFFC000  }
0x1f1: {  	_ =	swait.ge [sflag:s28], $0x800  }
0x1f2: {  	[sflag:s28] =	ssyncset.done $0x0  }
0x1f3: {  	[sflag:s28] =	ssyncadd.s32 $0xFFFFF800  }
0x1f4: {  	[bflag:$0x0] =	sbarrier.arrive $0xFFFF  }
0x1f5: {  	s14 =	rddreg [dreg:$0x9]  }
0x1f6: {  	s22 =	rddreg [dreg:$0xa]  }
0x1f7: {  	s26 =	rddreg [dreg:$0xd]  }
0x1f8: {  	[hbm:s22], [sflag:s14] =	dma.local [spmem:s26], $0x27F0  }
0x1f9: {  	_ =	swait.ge [sflag:s13], $0x27F0  }
0x1fa: {  	[sflag:s13] =	ssyncset.done $0x0;
	s8 =	rddreg [dreg:$0xb]  }
0x1fb: {  	s22 =	simm.s32 $0x10;
	s26 =	rddreg [dreg:$0xe];
	[sflag:s13] =	ssyncadd.s32 $0xFFFFD810  }
0x1fc: {  	[hbm:s8@s22], [sflag:s14] =	dma.strided [spmem:s26@s16], $0x4FE, s15, $0x2   }
0x1fd: {  	_ =	swait.ge [sflag:s13], $0x4FE  }
0x1fe: {  	s8 =	rddreg [dreg:$0xf]  }
0x1ff: {  	s22 =	sadd.s32 $0x1, s8;
	s8 =	rddreg [dreg:$0xc]  }
0x200: {  	p0 =	sne.s32 s22, s8  }
.Ltmp1:
0x201: {  	_ = 	snop;
	(pc) =	sbr.rel @p0 .LBB2_1-.Ltmp1, $3  }
0x202: {  	_ =	sdelay $0x1  }
0x203: {  	[sflag:s13] =	ssyncset.done $0x0;
	[dreg:$0xf] =	wrdreg s22  }
0x204: {  	[sflag:s13] =	ssyncadd.s32 $0xFFFFFB02;
	s22 =	rddreg [dreg:$0xd]  }
0x205: {  	_ =	sfence.sel $0x180000  }
0x206: {  	[bflag:$0x0] =	sbarrier.arrive $0xFFFF  }
0x207: {  	_ =	strace $0x90000047  }
0x208: {  	s0 =	stileid.u32;
	[bflag:$0x2] =	sbarrier.arrive $0xFFFF  }
0x209: {  	p0 =	sne.s32 s0, $0x0;
	s0 =	rddreg [dreg:$0x5]  }
0x20a: {  	s0 =	sadd.s32 @!p0 $0x100000, s0  }
0x20b: {  	[sflag:s0] =	ssyncadd.tile.s32 @!p0 $0x1;
	_ =	shalt  }
.Lfunc_end2:
_tile_overlayer_lowered:
.L_overlay_start_2:
0x20c: {  	(tag) =	ssettag $0x2  }
0x20d: {  	s0 =	rddreg [dreg:$0x0];
	s2 =	stileid.u32  }
0x20e: {  	s1 =	rddreg [dreg:$0x1];
	p0 =	sne.s32 s2, $0x0  }
0x20f: {  	s3 =	rddreg [dreg:$0x2];
	[bflag:$0x3] =	sbarrier.arrive $0xFFFF;
	s2 =	simm.s32 @!p0 $0x1C05  }
0x210: {  	[timem:s3], [sflag:s2] =	dma.local @!p0 [hbm:s0], s1  }
0x211: {  	s0 =	simm.s32 @!p0 $0x5  }
0x212: {  	_ =	swait.ge @!p0 [sflag:s0], s1  }
0x213: {  	s1 =	ssub.s32 @!p0 $0x0, s1;
	[sflag:s0] =	ssyncset.done @!p0 $0x0  }
0x214: {  	[sflag:s0] =	ssyncadd.s32 @!p0 s1  }
0x215: {  	[bflag:$0x3] =	sbarrier.arrive $0xFFFF  }
0x216: {  	_ =	shalt  }

</sc_bundles>
